<compile_context>
chip_gen: v7x
topology: tpu7x:2x2x1
jax: 0.10.2.dev20260603
libtpu: 0.0.44.dev20260713+nightly
codegen_flags: <defaults>
</compile_context>

<pallas_src>
import jax
import jax.numpy as jnp
import numpy as np
from jax.experimental import pallas as pl
from jax.experimental.pallas import tpu as pltpu

_STRIDE = 4
_ANCHOR_SCALE = 8.0
_ASPECTS = [(1.0, 1.0), (1.4, 0.7), (0.7, 1.4)]
_PRE = 2000
_POST = 1000
_THRESH = 0.7
_CLIP = float(np.log(1000.0 / 16.0))
_NPAD = 2048


def _anchors_np(feat_h, feat_w):
    base = _ANCHOR_SCALE * _STRIDE
    ys = (np.arange(feat_h, dtype=np.float32) + 0.5) * _STRIDE
    xs = (np.arange(feat_w, dtype=np.float32) + 0.5) * _STRIDE
    cy, cx = np.meshgrid(ys, xs, indexing='ij')
    per = []
    for ax, ay in _ASPECTS:
        hh = base * ay / 2.0
        hw = base * ax / 2.0
        per.append(np.stack([cy - hh, cx - hw, cy + hh, cx + hw], axis=-1))
    return np.stack(per, axis=2).reshape(-1, 4).astype(np.float32)


def _head_kernel(x_ref, w_ref, b_ref, o_ref):
    o_ref[...] = jnp.dot(x_ref[...], w_ref[...],
                         preferred_element_type=jnp.float32) + b_ref[...]


def _run_head(x2d, wcat, bcat):
    m = x2d.shape[0]
    bm = 4368
    grid = m // bm
    return pl.pallas_call(
        _head_kernel,
        grid=(grid,),
        in_specs=[
            pl.BlockSpec((bm, 256), lambda i: (i, 0)),
            pl.BlockSpec((256, 15), lambda i: (0, 0)),
            pl.BlockSpec((1, 15), lambda i: (0, 0)),
        ],
        out_specs=pl.BlockSpec((bm, 15), lambda i: (i, 0)),
        out_shape=jax.ShapeDtypeStruct((m, 15), jnp.float32),
    )(x2d, wcat, bcat)


def _decode_kernel(a_ref, d_ref, hw_ref, o_ref):
    ha = a_ref[2:3, :] - a_ref[0:1, :]
    wa = a_ref[3:4, :] - a_ref[1:2, :]
    cya = a_ref[0:1, :] + 0.5 * ha
    cxa = a_ref[1:2, :] + 0.5 * wa
    dh = jnp.minimum(d_ref[2:3, :], _CLIP)
    dw = jnp.minimum(d_ref[3:4, :], _CLIP)
    cy = d_ref[0:1, :] * ha + cya
    cx = d_ref[1:2, :] * wa + cxa
    bh = jnp.exp(dh) * ha
    bw = jnp.exp(dw) * wa
    hmax = hw_ref[0, 0] - 1.0
    wmax = hw_ref[0, 1] - 1.0
    y1 = jnp.clip(cy - 0.5 * bh, 0.0, hmax)
    x1 = jnp.clip(cx - 0.5 * bw, 0.0, wmax)
    y2 = jnp.clip(cy + 0.5 * bh, 0.0, hmax)
    x2 = jnp.clip(cx + 0.5 * bw, 0.0, wmax)
    o_ref[0:1, :] = y1
    o_ref[1:2, :] = x1
    o_ref[2:3, :] = y2
    o_ref[3:4, :] = x2
    o_ref[4:5, :] = (y2 - y1) * (x2 - x1)
    o_ref[5:8, :] = jnp.zeros((3, _NPAD), jnp.float32)


def _nms_kernel(br_ref, bc_ref, pc_ref, rois_ref, sc_ref, keep_ref):
    rois_ref[...] = jnp.zeros_like(rois_ref)
    sc_ref[...] = jnp.zeros_like(sc_ref)
    lane0 = jax.lax.broadcasted_iota(jnp.int32, (1, _NPAD), 1)
    keep_ref[...] = jnp.where(lane0 < _PRE, 1.0, 0.0)

    def cond(carry):
        i, cnt = carry
        return (i < _PRE) & (cnt < _POST)

    def body(carry):
        i, cnt = carry
        lane = jax.lax.broadcasted_iota(jnp.int32, (1, _NPAD), 1)
        onehot = (lane == i).astype(jnp.float32)
        ki = jnp.sum(keep_ref[...] * onehot)
        alive = ki > 0.5

        @pl.when(alive)
        def _():
            bi = bc_ref[pl.ds(i, 1), :]
            bi_y1 = bi[0, 0]
            bi_x1 = bi[0, 1]
            bi_y2 = bi[0, 2]
            bi_x2 = bi[0, 3]
            ai = (bi_y2 - bi_y1) * (bi_x2 - bi_x1)
            yy1 = br_ref[0:1, :]
            xx1 = br_ref[1:2, :]
            yy2 = br_ref[2:3, :]
            xx2 = br_ref[3:4, :]
            ih = jnp.maximum(jnp.minimum(yy2, bi_y2) - jnp.maximum(yy1, bi_y1), 0.0)
            iw = jnp.maximum(jnp.minimum(xx2, bi_x2) - jnp.maximum(xx1, bi_x1), 0.0)
            inter = ih * iw
            union = br_ref[4:5, :] + ai - inter
            iou = inter / jnp.maximum(union, 1e-8)
            sup = (iou > _THRESH) & (lane > i)
            keep_ref[...] = jnp.where(sup, 0.0, keep_ref[...])
            rois_ref[pl.ds(cnt, 1), :] = bi
            sc_ref[pl.ds(cnt, 1), :] = pc_ref[pl.ds(i, 1), :]

        return i + 1, cnt + jnp.where(alive, 1, 0).astype(jnp.int32)

    jax.lax.while_loop(cond, body, (jnp.int32(0), jnp.int32(0)))


def _run_nms(anc_row, del_row, p_col, hw):
    boxes_row = pl.pallas_call(
        _decode_kernel,
        out_shape=jax.ShapeDtypeStruct((8, _NPAD), jnp.float32),
    )(anc_row, del_row, hw)
    boxes_col = boxes_row[0:4].T
    return pl.pallas_call(
        _nms_kernel,
        out_shape=[jax.ShapeDtypeStruct((1024, 4), jnp.float32),
                   jax.ShapeDtypeStruct((1024, 1), jnp.float32)],
        scratch_shapes=[pltpu.VMEM((1, _NPAD), jnp.float32)],
    )(boxes_row, boxes_col, p_col)


def kernel(inputs, img_info, w_cls, b_cls, w_reg, b_reg):
    b, h, w, c = inputs.shape
    x2d = inputs.reshape(b * h * w, c)
    wcat = jnp.concatenate([w_cls, w_reg], axis=1)
    bcat = jnp.concatenate([b_cls, b_reg]).reshape(1, 15)
    out15 = _run_head(x2d, wcat, bcat)
    cls_scores = out15[:, :3].reshape(b, h, w, 3)
    bbox_preds = out15[:, 3:15].reshape(b, h, w, 12)

    probs = jax.nn.sigmoid(out15[:, :3].reshape(-1))
    top_p, top_idx = jax.lax.top_k(probs, _PRE)
    anchors = jnp.asarray(_anchors_np(h, w))
    anc_top = anchors[top_idx]
    del_top = out15[:, 3:15].reshape(-1, 4)[top_idx]

    anc_row = jnp.zeros((4, _NPAD), jnp.float32).at[:, :_PRE].set(anc_top.T)
    del_row = jnp.zeros((4, _NPAD), jnp.float32).at[:, :_PRE].set(del_top.T)
    p_col = jnp.zeros((_NPAD, 1), jnp.float32).at[:_PRE, 0].set(top_p)
    hw = img_info[:1, :2]

    rois_p, sc_p = _run_nms(anc_row, del_row, p_col, hw)
    rois = rois_p[:_POST].reshape(1, _POST, 4)
    roi_scores = sc_p[:_POST, 0].reshape(1, _POST)
    return cls_scores, bbox_preds, rois, roi_scores

# --- scband reference (transcript-rebuilt; emitter-appended) ---
"""Pipeline reference for scband-anchor-head-50689204027618 (READ-ONLY COPY).

The authoritative reference and input builder live on the scoring server;
editing this copy changes nothing except your own understanding.
"""

import jax, jax.numpy as jnp
import numpy as np

IMAGE_H, IMAGE_W = 832.0, 1344.0
STRIDE = 4
ANCHOR_SCALE = 8.0
ASPECTS = [(1.0, 1.0), (1.4, 0.7), (0.7, 1.4)]
PRE_NMS_TOPN = 2000
POST_NMS_TOPN = 1000
NMS_THRESH = 0.7
BBOX_XFORM_CLIP = float(np.log(1000.0 / 16.0))


def make_anchors(feat_h, feat_w):
    base = ANCHOR_SCALE * STRIDE
    ys = (np.arange(feat_h, dtype=np.float32) + 0.5) * STRIDE
    xs = (np.arange(feat_w, dtype=np.float32) + 0.5) * STRIDE
    cy, cx = np.meshgrid(ys, xs, indexing='ij')
    per_aspect = []
    for ax, ay in ASPECTS:
        hh = base * ay / 2.0
        hw = base * ax / 2.0
        a = np.stack([cy - hh, cx - hw, cy + hh, cx + hw], axis=-1)
        per_aspect.append(a)
    anchors = np.stack(per_aspect, axis=2).reshape(-1, 4)
    return jnp.asarray(anchors, dtype=jnp.float32)


def conv1x1(x, w, b):
    return jnp.einsum('bhwc,co->bhwo', x, w) + b


def decode_boxes(anchors, deltas):
    ha = anchors[:, 2] - anchors[:, 0]
    wa = anchors[:, 3] - anchors[:, 1]
    cya = anchors[:, 0] + 0.5 * ha
    cxa = anchors[:, 1] + 0.5 * wa
    dy, dx, dh, dw = deltas[:, 0], deltas[:, 1], deltas[:, 2], deltas[:, 3]
    dh = jnp.minimum(dh, BBOX_XFORM_CLIP)
    dw = jnp.minimum(dw, BBOX_XFORM_CLIP)
    cy = dy * ha + cya
    cx = dx * wa + cxa
    h = jnp.exp(dh) * ha
    w = jnp.exp(dw) * wa
    return jnp.stack([cy - 0.5 * h, cx - 0.5 * w, cy + 0.5 * h, cx + 0.5 * w], axis=-1)


def iou_matrix(boxes):
    y1, x1, y2, x2 = boxes[:, 0], boxes[:, 1], boxes[:, 2], boxes[:, 3]
    area = (y2 - y1) * (x2 - x1)
    iy1 = jnp.maximum(y1[:, None], y1[None, :])
    ix1 = jnp.maximum(x1[:, None], x1[None, :])
    iy2 = jnp.minimum(y2[:, None], y2[None, :])
    ix2 = jnp.minimum(x2[:, None], x2[None, :])
    inter = jnp.clip(iy2 - iy1, 0.0) * jnp.clip(ix2 - ix1, 0.0)
    union = area[:, None] + area[None, :] - inter
    return inter / jnp.maximum(union, 1e-8)


def nms_keep(iou):
    n = iou.shape[0]
    idxs = jnp.arange(n)

    def body(keep, i):
        suppress = keep[i] & (iou[i] > NMS_THRESH) & (idxs > i)
        keep = keep & (~suppress)
        return keep, None

    keep, _ = jax.lax.scan(body, jnp.ones((n,), dtype=bool), idxs)
    return keep


def propose_rois(scores_flat, deltas_flat, anchors, hw):
    probs = jax.nn.sigmoid(scores_flat)
    top_scores, top_idx = jax.lax.top_k(probs, PRE_NMS_TOPN)
    boxes = decode_boxes(anchors[top_idx], deltas_flat[top_idx])
    h, w = hw[0], hw[1]
    boxes = jnp.stack([
        jnp.clip(boxes[:, 0], 0.0, h - 1.0),
        jnp.clip(boxes[:, 1], 0.0, w - 1.0),
        jnp.clip(boxes[:, 2], 0.0, h - 1.0),
        jnp.clip(boxes[:, 3], 0.0, w - 1.0),
    ], axis=-1)
    iou = iou_matrix(boxes)
    keep = nms_keep(iou)
    kept_scores = jnp.where(keep, top_scores, -1.0)
    final_scores, order = jax.lax.top_k(kept_scores, POST_NMS_TOPN)
    final_boxes = boxes[order]
    valid = final_scores >= 0.0
    final_boxes = jnp.where(valid[:, None], final_boxes, 0.0)
    final_scores = jnp.where(valid, final_scores, 0.0)
    return final_boxes, final_scores


def forward(inputs, img_info, w_cls, b_cls, w_reg, b_reg):
    cls_scores = conv1x1(inputs, w_cls, b_cls)
    bbox_preds = conv1x1(inputs, w_reg, b_reg)
    B, H, W, _ = inputs.shape
    anchors = make_anchors(H, W)
    scores_flat = cls_scores.reshape(B, -1)
    deltas_flat = bbox_preds.reshape(B, -1, 4)
    rois, roi_scores = jax.vmap(propose_rois, in_axes=(0, 0, None, 0))(
        scores_flat, deltas_flat, anchors, img_info[:, :2])
    return cls_scores, bbox_preds, rois, roi_scores


def setup_inputs(seed: int = 0):
    key = jax.random.key(seed)
    k1, k2, k3 = jax.random.split(key, 3)
    inputs = jax.random.normal(k1, (1, 208, 336, 256), dtype=jnp.float32)
    img_info = jnp.ones((1, 5), dtype=jnp.float32) * jnp.array(
        [[IMAGE_H, IMAGE_W, 1.0, IMAGE_H, IMAGE_W]], dtype=jnp.float32)
    w_cls = jax.random.normal(k2, (256, 3), dtype=jnp.float32) * 0.01
    b_cls = jnp.zeros((3,), dtype=jnp.float32)
    w_reg = jax.random.normal(k3, (256, 12), dtype=jnp.float32) * 0.01
    b_reg = jnp.zeros((12,), dtype=jnp.float32)
    return {"inputs": inputs, "img_info": img_info, "w_cls": w_cls,
            "b_cls": b_cls, "w_reg": w_reg, "b_reg": b_reg}


def reference(inputs, img_info, w_cls, b_cls, w_reg, b_reg):
    return forward(inputs, img_info, w_cls, b_cls, w_reg, b_reg)

if __name__ == "__main__":
    import jax
    _d = setup_inputs()
    print(jax.jit(kernel)(*tuple(_d.values())))

</pallas_src>

<mosaic_0001>
module attributes {stable_mosaic.version = 14 : i64} {
  func.func @_head_kernel(%arg0: i32, %arg1: memref<4368x256xf32, #tpu.memory_space<vmem>>, %arg2: memref<256x15xf32, #tpu.memory_space<vmem>>, %arg3: memref<1x15xf32, #tpu.memory_space<vmem>>, %arg4: memref<4368x15xf32, #tpu.memory_space<vmem>>) attributes {dimension_semantics = [#tpu.dimension_semantics<arbitrary>], iteration_bounds = array<i64: 16>, scalar_prefetch = 0 : i64, scratch_operands = 0 : i64, tpu.core_type = #tpu.core_type<tc>, window_params = [{transform_indices = @transform_0, window_bounds = array<i64: 4368, 256>}, {pipeline_mode = #tpu.pipeline_mode<synchronous>, transform_indices = @transform_1, window_bounds = array<i64: 256, 15>}, {pipeline_mode = #tpu.pipeline_mode<synchronous>, transform_indices = @transform_2, window_bounds = array<i64: 1, 15>}, {transform_indices = @transform_3, window_bounds = array<i64: 4368, 15>}]} {
    %get3A = arith.constant 0 : index
    %get3A_0 = arith.constant 0 : index
    %get3A_1 = vector.load %arg1[%get3A, %get3A_0] : memref<4368x256xf32, #tpu.memory_space<vmem>>, vector<4368x256xf32>
    %get3A_2 = arith.constant 0 : index
    %get3A_3 = arith.constant 0 : index
    %get3A_4 = vector.load %arg2[%get3A_2, %get3A_3] : memref<256x15xf32, #tpu.memory_space<vmem>>, vector<256x15xf32>
    %dot_general3A = arith.constant dense<0.000000e+00> : vector<4368x15xf32>
    %dot_general3A_5 = tpu.matmul %get3A_1, %get3A_4, %dot_general3A {dimension_numbers = #tpu.dot_dimension_numbers<[1], [0], [0], [1], [0, 0, 1, 1], [], []>, transpose_lhs_hint = false} : vector<4368x256xf32>, vector<256x15xf32>, vector<4368x15xf32> -> vector<4368x15xf32>
    %get3A_6 = arith.constant 0 : index
    %get3A_7 = arith.constant 0 : index
    %get3A_8 = vector.load %arg3[%get3A_6, %get3A_7] : memref<1x15xf32, #tpu.memory_space<vmem>>, vector<1x15xf32>
    %add3A = vector.broadcast %get3A_8 : vector<1x15xf32> to vector<4368x15xf32>
    %add3A_9 = arith.addf %dot_general3A_5, %add3A : vector<4368x15xf32>
    %swap3A = arith.constant 0 : index
    %swap3A_10 = arith.constant 0 : index
    %swap3A_11 = vector.load %arg4[%swap3A, %swap3A_10] : memref<4368x15xf32, #tpu.memory_space<vmem>>, vector<4368x15xf32>
    tpu.vector_store %arg4[%swap3A, %swap3A_10], %add3A_9 {strides = array<i32>} : memref<4368x15xf32, #tpu.memory_space<vmem>>, vector<4368x15xf32>,
    return
  }
  func.func @transform_0(%arg0: i32) -> (i32, i32) {
    %c0_i32 = arith.constant 0 : i32
    %c0_i32_0 = arith.constant 0 : i32
    return %arg0, %c0_i32 : i32, i32
  }
  func.func @transform_1(%arg0: i32) -> (i32, i32) {
    %c0_i32 = arith.constant 0 : i32
    %c0_i32_0 = arith.constant 0 : i32
    %c0_i32_1 = arith.constant 0 : i32
    return %c0_i32, %c0_i32_0 : i32, i32
  }
  func.func @transform_2(%arg0: i32) -> (i32, i32) {
    %c0_i32 = arith.constant 0 : i32
    %c0_i32_0 = arith.constant 0 : i32
    %c0_i32_1 = arith.constant 0 : i32
    return %c0_i32, %c0_i32_0 : i32, i32
  }
  func.func @transform_3(%arg0: i32) -> (i32, i32) {
    %c0_i32 = arith.constant 0 : i32
    %c0_i32_0 = arith.constant 0 : i32
    return %arg0, %c0_i32 : i32, i32
  }
}

module attributes {stable_mosaic.version = 14 : i64} {
  func.func @_decode_kernel(%arg0: memref<4x2048xf32, #tpu.memory_space<vmem>>, %arg1: memref<4x2048xf32, #tpu.memory_space<vmem>>, %arg2: memref<1x2xf32, #tpu.memory_space<vmem>>, %arg3: memref<8x2048xf32, #tpu.memory_space<vmem>>) attributes {dimension_semantics = [], scalar_prefetch = 0 : i64, scratch_operands = 0 : i64, tpu.core_type = #tpu.core_type<tc>} {
    %get3A = arith.constant 2 : index
    %get3A_0 = arith.constant 0 : index
    %get3A_1 = vector.load %arg0[%get3A, %get3A_0] : memref<4x2048xf32, #tpu.memory_space<vmem>>, vector<1x2048xf32>
    %get3A_2 = arith.constant 0 : index
    %get3A_3 = arith.constant 0 : index
    %get3A_4 = vector.load %arg0[%get3A_2, %get3A_3] : memref<4x2048xf32, #tpu.memory_space<vmem>>, vector<1x2048xf32>
    %sub3A = arith.subf %get3A_1, %get3A_4 : vector<1x2048xf32>
    %get3A_5 = arith.constant 3 : index
    %get3A_6 = arith.constant 0 : index
    %get3A_7 = vector.load %arg0[%get3A_5, %get3A_6] : memref<4x2048xf32, #tpu.memory_space<vmem>>, vector<1x2048xf32>
    %get3A_8 = arith.constant 1 : index
    %get3A_9 = arith.constant 0 : index
    %get3A_10 = vector.load %arg0[%get3A_8, %get3A_9] : memref<4x2048xf32, #tpu.memory_space<vmem>>, vector<1x2048xf32>
    %sub3A_11 = arith.subf %get3A_7, %get3A_10 : vector<1x2048xf32>
    %get3A_12 = arith.constant 0 : index
    %get3A_13 = arith.constant 0 : index
    %get3A_14 = vector.load %arg0[%get3A_12, %get3A_13] : memref<4x2048xf32, #tpu.memory_space<vmem>>, vector<1x2048xf32>
    %mul3A = arith.constant 5.000000e-01 : f32
    %mul3A_15 = vector.broadcast %mul3A : f32 to vector<1x2048xf32>
    %mul3A_16 = arith.mulf %mul3A_15, %sub3A : vector<1x2048xf32>
    %add3A = arith.addf %get3A_14, %mul3A_16 : vector<1x2048xf32>
    %get3A_17 = arith.constant 1 : index
    %get3A_18 = arith.constant 0 : index
    %get3A_19 = vector.load %arg0[%get3A_17, %get3A_18] : memref<4x2048xf32, #tpu.memory_space<vmem>>, vector<1x2048xf32>
    %mul3A_20 = arith.constant 5.000000e-01 : f32
    %mul3A_21 = vector.broadcast %mul3A_20 : f32 to vector<1x2048xf32>
    %mul3A_22 = arith.mulf %mul3A_21, %sub3A_11 : vector<1x2048xf32>
    %add3A_23 = arith.addf %get3A_19, %mul3A_22 : vector<1x2048xf32>
    %get3A_24 = arith.constant 2 : index
    %get3A_25 = arith.constant 0 : index
    %get3A_26 = vector.load %arg1[%get3A_24, %get3A_25] : memref<4x2048xf32, #tpu.memory_space<vmem>>, vector<1x2048xf32>
    %min3A = arith.constant 4.13516665 : f32
    %min3A_27 = vector.broadcast %min3A : f32 to vector<1x2048xf32>
    %min3A_28 = arith.minimumf %get3A_26, %min3A_27 : vector<1x2048xf32>
    %get3A_29 = arith.constant 3 : index
    %get3A_30 = arith.constant 0 : index
    %get3A_31 = vector.load %arg1[%get3A_29, %get3A_30] : memref<4x2048xf32, #tpu.memory_space<vmem>>, vector<1x2048xf32>
    %min3A_32 = arith.constant 4.13516665 : f32
    %min3A_33 = vector.broadcast %min3A_32 : f32 to vector<1x2048xf32>
    %min3A_34 = arith.minimumf %get3A_31, %min3A_33 : vector<1x2048xf32>
    %get3A_35 = arith.constant 0 : index
    %get3A_36 = arith.constant 0 : index
    %get3A_37 = vector.load %arg1[%get3A_35, %get3A_36] : memref<4x2048xf32, #tpu.memory_space<vmem>>, vector<1x2048xf32>
    %mul3A_38 = arith.mulf %get3A_37, %sub3A : vector<1x2048xf32>
    %add3A_39 = arith.addf %mul3A_38, %add3A : vector<1x2048xf32>
    %get3A_40 = arith.constant 1 : index
    %get3A_41 = arith.constant 0 : index
    %get3A_42 = vector.load %arg1[%get3A_40, %get3A_41] : memref<4x2048xf32, #tpu.memory_space<vmem>>, vector<1x2048xf32>
    %mul3A_43 = arith.mulf %get3A_42, %sub3A_11 : vector<1x2048xf32>
    %add3A_44 = arith.addf %mul3A_43, %add3A_23 : vector<1x2048xf32>
    %exp3A = math.exp %min3A_28 : vector<1x2048xf32>
    %mul3A_45 = arith.mulf %exp3A, %sub3A : vector<1x2048xf32>
    %exp3A_46 = math.exp %min3A_34 : vector<1x2048xf32>
    %mul3A_47 = arith.mulf %exp3A_46, %sub3A_11 : vector<1x2048xf32>
    %get3A_48 = arith.constant 0 : index
    %get3A_49 = arith.constant 0 : index
    %get3A_50 = vector.load %arg2[%get3A_48, %get3A_49] : memref<1x2xf32, #tpu.memory_space<vmem>>, vector<1x1xf32>
    %get3A_51 = vector.extract %get3A_50[0, 0] : f32 from vector<1x1xf32>
    %sub3A_52 = arith.constant 1.000000e+00 : f32
    %sub3A_53 = arith.subf %get3A_51, %sub3A_52 : f32
    %get3A_54 = arith.constant 0 : index
    %get3A_55 = arith.constant 1 : index
    %get3A_56 = vector.load %arg2[%get3A_54, %get3A_55] : memref<1x2xf32, #tpu.memory_space<vmem>>, vector<1x1xf32>
    %get3A_57 = vector.extract %get3A_56[0, 0] : f32 from vector<1x1xf32>
    %sub3A_58 = arith.constant 1.000000e+00 : f32
    %sub3A_59 = arith.subf %get3A_57, %sub3A_58 : f32
    %mul3A_60 = arith.constant 5.000000e-01 : f32
    %mul3A_61 = vector.broadcast %mul3A_60 : f32 to vector<1x2048xf32>
    %mul3A_62 = arith.mulf %mul3A_61, %mul3A_45 : vector<1x2048xf32>
    %sub3A_63 = arith.subf %add3A_39, %mul3A_62 : vector<1x2048xf32>
    %jit3A = arith.constant 0.000000e+00 : f32
    %max3A = vector.broadcast %jit3A : f32 to vector<1x2048xf32>
    %max3A_64 = arith.maximumf %max3A, %sub3A_63 : vector<1x2048xf32>
    %min3A_65 = vector.broadcast %sub3A_53 : f32 to vector<1x2048xf32>
    %min3A_66 = arith.minimumf %min3A_65, %max3A_64 : vector<1x2048xf32>
    %mul3A_67 = arith.constant 5.000000e-01 : f32
    %mul3A_68 = vector.broadcast %mul3A_67 : f32 to vector<1x2048xf32>
    %mul3A_69 = arith.mulf %mul3A_68, %mul3A_47 : vector<1x2048xf32>
    %sub3A_70 = arith.subf %add3A_44, %mul3A_69 : vector<1x2048xf32>
    %jit3A_71 = arith.constant 0.000000e+00 : f32
    %max3A_72 = vector.broadcast %jit3A_71 : f32 to vector<1x2048xf32>
    %max3A_73 = arith.maximumf %max3A_72, %sub3A_70 : vector<1x2048xf32>
    %min3A_74 = vector.broadcast %sub3A_59 : f32 to vector<1x2048xf32>
    %min3A_75 = arith.minimumf %min3A_74, %max3A_73 : vector<1x2048xf32>
    %mul3A_76 = arith.constant 5.000000e-01 : f32
    %mul3A_77 = vector.broadcast %mul3A_76 : f32 to vector<1x2048xf32>
    %mul3A_78 = arith.mulf %mul3A_77, %mul3A_45 : vector<1x2048xf32>
    %add3A_79 = arith.addf %add3A_39, %mul3A_78 : vector<1x2048xf32>
    %jit3A_80 = arith.constant 0.000000e+00 : f32
    %max3A_81 = vector.broadcast %jit3A_80 : f32 to vector<1x2048xf32>
    %max3A_82 = arith.maximumf %max3A_81, %add3A_79 : vector<1x2048xf32>
    %min3A_83 = vector.broadcast %sub3A_53 : f32 to vector<1x2048xf32>
    %min3A_84 = arith.minimumf %min3A_83, %max3A_82 : vector<1x2048xf32>
    %mul3A_85 = arith.constant 5.000000e-01 : f32
    %mul3A_86 = vector.broadcast %mul3A_85 : f32 to vector<1x2048xf32>
    %mul3A_87 = arith.mulf %mul3A_86, %mul3A_47 : vector<1x2048xf32>
    %add3A_88 = arith.addf %add3A_44, %mul3A_87 : vector<1x2048xf32>
    %jit3A_89 = arith.constant 0.000000e+00 : f32
    %max3A_90 = vector.broadcast %jit3A_89 : f32 to vector<1x2048xf32>
    %max3A_91 = arith.maximumf %max3A_90, %add3A_88 : vector<1x2048xf32>
    %min3A_92 = vector.broadcast %sub3A_59 : f32 to vector<1x2048xf32>
    %min3A_93 = arith.minimumf %min3A_92, %max3A_91 : vector<1x2048xf32>
    %swap3A = arith.constant 0 : index
    %swap3A_94 = arith.constant 0 : index
    %swap3A_95 = vector.load %arg3[%swap3A, %swap3A_94] : memref<8x2048xf32, #tpu.memory_space<vmem>>, vector<1x2048xf32>
    tpu.vector_store %arg3[%swap3A, %swap3A_94], %min3A_66 {strides = array<i32>} : memref<8x2048xf32, #tpu.memory_space<vmem>>, vector<1x2048xf32>,
    %swap3A_96 = arith.constant 1 : index
    %swap3A_97 = arith.constant 0 : index
    %swap3A_98 = vector.load %arg3[%swap3A_96, %swap3A_97] : memref<8x2048xf32, #tpu.memory_space<vmem>>, vector<1x2048xf32>
    tpu.vector_store %arg3[%swap3A_96, %swap3A_97], %min3A_75 {strides = array<i32>} : memref<8x2048xf32, #tpu.memory_space<vmem>>, vector<1x2048xf32>,
    %swap3A_99 = arith.constant 2 : index
    %swap3A_100 = arith.constant 0 : index
    %swap3A_101 = vector.load %arg3[%swap3A_99, %swap3A_100] : memref<8x2048xf32, #tpu.memory_space<vmem>>, vector<1x2048xf32>
    tpu.vector_store %arg3[%swap3A_99, %swap3A_100], %min3A_84 {strides = array<i32>} : memref<8x2048xf32, #tpu.memory_space<vmem>>, vector<1x2048xf32>,
    %swap3A_102 = arith.constant 3 : index
    %swap3A_103 = arith.constant 0 : index
    %swap3A_104 = vector.load %arg3[%swap3A_102, %swap3A_103] : memref<8x2048xf32, #tpu.memory_space<vmem>>, vector<1x2048xf32>
    tpu.vector_store %arg3[%swap3A_102, %swap3A_103], %min3A_93 {strides = array<i32>} : memref<8x2048xf32, #tpu.memory_space<vmem>>, vector<1x2048xf32>,
    %sub3A_105 = arith.subf %min3A_84, %min3A_66 : vector<1x2048xf32>
    %sub3A_106 = arith.subf %min3A_93, %min3A_75 : vector<1x2048xf32>
    %mul3A_107 = arith.mulf %sub3A_105, %sub3A_106 : vector<1x2048xf32>
    %swap3A_108 = arith.constant 4 : index
    %swap3A_109 = arith.constant 0 : index
    %swap3A_110 = vector.load %arg3[%swap3A_108, %swap3A_109] : memref<8x2048xf32, #tpu.memory_space<vmem>>, vector<1x2048xf32>
    tpu.vector_store %arg3[%swap3A_108, %swap3A_109], %mul3A_107 {strides = array<i32>} : memref<8x2048xf32, #tpu.memory_space<vmem>>, vector<1x2048xf32>,
    %broadcast_in_dim3A = arith.constant 0.000000e+00 : f32
    %broadcast_in_dim3A_111 = vector.broadcast %broadcast_in_dim3A : f32 to vector<3x2048xf32>
    %swap3A_112 = arith.constant 5 : index
    %swap3A_113 = arith.constant 0 : index
    %swap3A_114 = vector.load %arg3[%swap3A_112, %swap3A_113] : memref<8x2048xf32, #tpu.memory_space<vmem>>, vector<3x2048xf32>
    tpu.vector_store %arg3[%swap3A_112, %swap3A_113], %broadcast_in_dim3A_111 {strides = array<i32>} : memref<8x2048xf32, #tpu.memory_space<vmem>>, vector<3x2048xf32>,
    return
  }
}

module attributes {stable_mosaic.version = 14 : i64} {
  func.func @_nms_kernel(%arg0: memref<8x2048xf32, #tpu.memory_space<vmem>>, %arg1: memref<2048x4xf32, #tpu.memory_space<vmem>>, %arg2: memref<2048x1xf32, #tpu.memory_space<vmem>>, %arg3: memref<1024x4xf32, #tpu.memory_space<vmem>>, %arg4: memref<1024x1xf32, #tpu.memory_space<vmem>>, %arg5: memref<1x2048xf32, #tpu.memory_space<vmem>>) attributes {dimension_semantics = [], scalar_prefetch = 0 : i64, scratch_operands = 1 : i64, tpu.core_type = #tpu.core_type<tc>} {
    %broadcast_in_dim3A = arith.constant 0.000000e+00 : f32
    %broadcast_in_dim3A_0 = vector.broadcast %broadcast_in_dim3A : f32 to vector<1024x4xf32>
    %swap3A = arith.constant 0 : index
    %swap3A_1 = arith.constant 0 : index
    %swap3A_2 = vector.load %arg3[%swap3A, %swap3A_1] : memref<1024x4xf32, #tpu.memory_space<vmem>>, vector<1024x4xf32>
    tpu.vector_store %arg3[%swap3A, %swap3A_1], %broadcast_in_dim3A_0 {strides = array<i32>} : memref<1024x4xf32, #tpu.memory_space<vmem>>, vector<1024x4xf32>,
    %broadcast_in_dim3A_3 = arith.constant 0.000000e+00 : f32
    %broadcast_in_dim3A_4 = vector.broadcast %broadcast_in_dim3A_3 : f32 to vector<1024x1xf32>
    %swap3A_5 = arith.constant 0 : index
    %swap3A_6 = arith.constant 0 : index
    %swap3A_7 = vector.load %arg4[%swap3A_5, %swap3A_6] : memref<1024x1xf32, #tpu.memory_space<vmem>>, vector<1024x1xf32>
    tpu.vector_store %arg4[%swap3A_5, %swap3A_6], %broadcast_in_dim3A_4 {strides = array<i32>} : memref<1024x1xf32, #tpu.memory_space<vmem>>, vector<1024x1xf32>,
    %iota3A = tpu.iota {dimensions = array<i32: 1>} : vector<1x2048xi32>
    %lt3A = arith.constant 2000 : i32
    %lt3A_8 = vector.broadcast %lt3A : i32 to vector<1x2048xi32>
    %lt3A_9 = arith.cmpi slt, %iota3A, %lt3A_8 : vector<1x2048xi32>
    %jit3A = arith.constant 1.000000e+00 : f32
    %jit3A_10 = arith.constant 0.000000e+00 : f32
    %broadcast_in_dim3A_11 = vector.broadcast %jit3A : f32 to vector<1x2048xf32>
    %broadcast_in_dim3A_12 = vector.broadcast %jit3A_10 : f32 to vector<1x2048xf32>
    %select_n3A = arith.select %lt3A_9, %broadcast_in_dim3A_11, %broadcast_in_dim3A_12 : vector<1x2048xi1>, vector<1x2048xf32>
    %swap3A_13 = arith.constant 0 : index
    %swap3A_14 = arith.constant 0 : index
    %swap3A_15 = vector.load %arg5[%swap3A_13, %swap3A_14] : memref<1x2048xf32, #tpu.memory_space<vmem>>, vector<1x2048xf32>
    tpu.vector_store %arg5[%swap3A_13, %swap3A_14], %select_n3A {strides = array<i32>} : memref<1x2048xf32, #tpu.memory_space<vmem>>, vector<1x2048xf32>,
    %while3A = arith.constant 0 : i32
    %while3A_16 = arith.constant 0 : i32
    %while3A_17:2 = scf.while (%while3A_18 = %while3A, %while3A_19 = %while3A_16) : (i32, i32) -> (i32, i32) {
      %lt3A_20 = arith.constant 2000 : i32
      %lt3A_21 = arith.cmpi slt, %while3A_18, %lt3A_20 : i32
      %lt3A_22 = arith.constant 1000 : i32
      %lt3A_23 = arith.cmpi slt, %while3A_19, %lt3A_22 : i32
      %and3A = arith.andi %lt3A_21, %lt3A_23 : i1
      scf.condition(%and3A) %while3A_18, %while3A_19 : i32, i32
    } do {
    ^bb0(%while3A_18: i32, %while3A_19: i32):
      %iota3A_20 = tpu.iota {dimensions = array<i32: 1>} : vector<1x2048xi32>
      %eq3A = vector.broadcast %while3A_18 : i32 to vector<1x2048xi32>
      %eq3A_21 = arith.cmpi eq, %iota3A_20, %eq3A : vector<1x2048xi32>
      %convert_element_type3A = arith.extui %eq3A_21 : vector<1x2048xi1> to vector<1x2048xi32>
      %convert_element_type3A_22 = arith.sitofp %convert_element_type3A : vector<1x2048xi32> to vector<1x2048xf32>
      %get3A = arith.constant 0 : index
      %get3A_23 = arith.constant 0 : index
      %get3A_24 = vector.load %arg5[%get3A, %get3A_23] : memref<1x2048xf32, #tpu.memory_space<vmem>>, vector<1x2048xf32>
      %mul3A = arith.mulf %get3A_24, %convert_element_type3A_22 : vector<1x2048xf32>
      %reduce_sum3A = vector.shape_cast %mul3A : vector<1x2048xf32> to vector<1x1x2048xf32>
      %reduce_sum3A_25 = arith.constant dense<0.000000e+00> : vector<1xf32>
      %reduce_sum3A_26 = vector.multi_reduction <add>, %reduce_sum3A, %reduce_sum3A_25 [1, 2] : vector<1x1x2048xf32> to vector<1xf32>
      %reduce_sum3A_27 = vector.shape_cast %reduce_sum3A_26 : vector<1xf32> to vector<1x1x1xf32>
      %reduce_sum3A_28 = vector.extract %reduce_sum3A_27[0, 0, 0] : f32 from vector<1x1x1xf32>
      %gt3A = arith.constant 5.000000e-01 : f32
      %gt3A_29 = arith.cmpf ogt, %reduce_sum3A_28, %gt3A : f32
      %convert_element_type3A_30 = arith.extui %gt3A_29 : i1 to i32
      %cond3A = arith.constant 0 : i32
      %cond3A_31 = arith.cmpi ne, %convert_element_type3A_30, %cond3A : i32
      scf.if %cond3A_31 {
        %get3A_37 = arith.index_cast %while3A_18 : i32 to index
        %get3A_38 = arith.constant 0 : index
        %get3A_39 = vector.load %arg1[%get3A_37, %get3A_38] : memref<2048x4xf32, #tpu.memory_space<vmem>>, vector<1x4xf32>
        %slice3A = vector.extract_strided_slice %get3A_39 {offsets = [0, 0], sizes = [1, 1], strides = [1, 1]} : vector<1x4xf32> to vector<1x1xf32>
        %squeeze3A = vector.extract %slice3A[0, 0] : f32 from vector<1x1xf32>
        %slice3A_40 = vector.extract_strided_slice %get3A_39 {offsets = [0, 1], sizes = [1, 1], strides = [1, 1]} : vector<1x4xf32> to vector<1x1xf32>
        %squeeze3A_41 = vector.extract %slice3A_40[0, 0] : f32 from vector<1x1xf32>
        %slice3A_42 = vector.extract_strided_slice %get3A_39 {offsets = [0, 2], sizes = [1, 1], strides = [1, 1]} : vector<1x4xf32> to vector<1x1xf32>
        %squeeze3A_43 = vector.extract %slice3A_42[0, 0] : f32 from vector<1x1xf32>
        %slice3A_44 = vector.extract_strided_slice %get3A_39 {offsets = [0, 3], sizes = [1, 1], strides = [1, 1]} : vector<1x4xf32> to vector<1x1xf32>
        %squeeze3A_45 = vector.extract %slice3A_44[0, 0] : f32 from vector<1x1xf32>
        %sub3A = arith.subf %squeeze3A_43, %squeeze3A : f32
        %sub3A_46 = arith.subf %squeeze3A_45, %squeeze3A_41 : f32
        %mul3A_47 = arith.mulf %sub3A, %sub3A_46 : f32
        %get3A_48 = arith.constant 0 : index
        %get3A_49 = arith.constant 0 : index
        %get3A_50 = vector.load %arg0[%get3A_48, %get3A_49] : memref<8x2048xf32, #tpu.memory_space<vmem>>, vector<1x2048xf32>
        %get3A_51 = arith.constant 1 : index
        %get3A_52 = arith.constant 0 : index
        %get3A_53 = vector.load %arg0[%get3A_51, %get3A_52] : memref<8x2048xf32, #tpu.memory_space<vmem>>, vector<1x2048xf32>
        %get3A_54 = arith.constant 2 : index
        %get3A_55 = arith.constant 0 : index
        %get3A_56 = vector.load %arg0[%get3A_54, %get3A_55] : memref<8x2048xf32, #tpu.memory_space<vmem>>, vector<1x2048xf32>
        %get3A_57 = arith.constant 3 : index
        %get3A_58 = arith.constant 0 : index
        %get3A_59 = vector.load %arg0[%get3A_57, %get3A_58] : memref<8x2048xf32, #tpu.memory_space<vmem>>, vector<1x2048xf32>
        %min3A = vector.broadcast %squeeze3A_43 : f32 to vector<1x2048xf32>
        %min3A_60 = arith.minimumf %get3A_56, %min3A : vector<1x2048xf32>
        %max3A = vector.broadcast %squeeze3A : f32 to vector<1x2048xf32>
        %max3A_61 = arith.maximumf %get3A_50, %max3A : vector<1x2048xf32>
        %sub3A_62 = arith.subf %min3A_60, %max3A_61 : vector<1x2048xf32>
        %max3A_63 = arith.constant 0.000000e+00 : f32
        %max3A_64 = vector.broadcast %max3A_63 : f32 to vector<1x2048xf32>
        %max3A_65 = arith.maximumf %sub3A_62, %max3A_64 : vector<1x2048xf32>
        %min3A_66 = vector.broadcast %squeeze3A_45 : f32 to vector<1x2048xf32>
        %min3A_67 = arith.minimumf %get3A_59, %min3A_66 : vector<1x2048xf32>
        %max3A_68 = vector.broadcast %squeeze3A_41 : f32 to vector<1x2048xf32>
        %max3A_69 = arith.maximumf %get3A_53, %max3A_68 : vector<1x2048xf32>
        %sub3A_70 = arith.subf %min3A_67, %max3A_69 : vector<1x2048xf32>
        %max3A_71 = arith.constant 0.000000e+00 : f32
        %max3A_72 = vector.broadcast %max3A_71 : f32 to vector<1x2048xf32>
        %max3A_73 = arith.maximumf %sub3A_70, %max3A_72 : vector<1x2048xf32>
        %mul3A_74 = arith.mulf %max3A_65, %max3A_73 : vector<1x2048xf32>
        %get3A_75 = arith.constant 4 : index
        %get3A_76 = arith.constant 0 : index
        %get3A_77 = vector.load %arg0[%get3A_75, %get3A_76] : memref<8x2048xf32, #tpu.memory_space<vmem>>, vector<1x2048xf32>
        %add3A_78 = vector.broadcast %mul3A_47 : f32 to vector<1x2048xf32>
        %add3A_79 = arith.addf %get3A_77, %add3A_78 : vector<1x2048xf32>
        %sub3A_80 = arith.subf %add3A_79, %mul3A_74 : vector<1x2048xf32>
        %max3A_81 = arith.constant 9.99999993E-9 : f32
        %max3A_82 = vector.broadcast %max3A_81 : f32 to vector<1x2048xf32>
        %max3A_83 = arith.maximumf %sub3A_80, %max3A_82 : vector<1x2048xf32>
        %div3A = arith.divf %mul3A_74, %max3A_83 : vector<1x2048xf32>
        %gt3A_84 = arith.constant 0.699999988 : f32
        %gt3A_85 = vector.broadcast %gt3A_84 : f32 to vector<1x2048xf32>
        %gt3A_86 = arith.cmpf ogt, %div3A, %gt3A_85 : vector<1x2048xf32>
        %gt3A_87 = vector.broadcast %while3A_18 : i32 to vector<1x2048xi32>
        %gt3A_88 = arith.cmpi sgt, %iota3A_20, %gt3A_87 : vector<1x2048xi32>
        %and3A = arith.andi %gt3A_86, %gt3A_88 : vector<1x2048xi1>
        %get3A_89 = arith.constant 0 : index
        %get3A_90 = arith.constant 0 : index
        %get3A_91 = vector.load %arg5[%get3A_89, %get3A_90] : memref<1x2048xf32, #tpu.memory_space<vmem>>, vector<1x2048xf32>
        %jit3A_92 = arith.constant 0.000000e+00 : f32
        %broadcast_in_dim3A_93 = vector.broadcast %jit3A_92 : f32 to vector<1x2048xf32>
        %select_n3A_94 = arith.select %and3A, %broadcast_in_dim3A_93, %get3A_91 : vector<1x2048xi1>, vector<1x2048xf32>
        %swap3A_95 = arith.constant 0 : index
        %swap3A_96 = arith.constant 0 : index
        %swap3A_97 = vector.load %arg5[%swap3A_95, %swap3A_96] : memref<1x2048xf32, #tpu.memory_space<vmem>>, vector<1x2048xf32>
        tpu.vector_store %arg5[%swap3A_95, %swap3A_96], %select_n3A_94 {strides = array<i32>} : memref<1x2048xf32, #tpu.memory_space<vmem>>, vector<1x2048xf32>,
        %swap3A_98 = arith.index_cast %while3A_19 : i32 to index
        %swap3A_99 = arith.constant 0 : index
        %swap3A_100 = vector.load %arg3[%swap3A_98, %swap3A_99] : memref<1024x4xf32, #tpu.memory_space<vmem>>, vector<1x4xf32>
        tpu.vector_store %arg3[%swap3A_98, %swap3A_99], %get3A_39 {strides = array<i32>} : memref<1024x4xf32, #tpu.memory_space<vmem>>, vector<1x4xf32>,
        %get3A_101 = arith.index_cast %while3A_18 : i32 to index
        %get3A_102 = arith.constant 0 : index
        %get3A_103 = vector.load %arg2[%get3A_101, %get3A_102] : memref<2048x1xf32, #tpu.memory_space<vmem>>, vector<1x1xf32>
        %swap3A_104 = arith.index_cast %while3A_19 : i32 to index
        %swap3A_105 = arith.constant 0 : index
        %swap3A_106 = vector.load %arg4[%swap3A_104, %swap3A_105] : memref<1024x1xf32, #tpu.memory_space<vmem>>, vector<1x1xf32>
        tpu.vector_store %arg4[%swap3A_104, %swap3A_105], %get3A_103 {strides = array<i32>} : memref<1024x1xf32, #tpu.memory_space<vmem>>, vector<1x1xf32>,
      } else {
      }
      %add3A = arith.constant 1 : i32
      %add3A_32 = arith.addi %while3A_18, %add3A : i32
      %jit3A_33 = arith.constant 1 : i32
      %jit3A_34 = arith.constant 0 : i32
      %select_n3A_35 = arith.select %gt3A_29, %jit3A_33, %jit3A_34 : i32
      %add3A_36 = arith.addi %while3A_19, %select_n3A_35 : i32
      scf.yield %add3A_32, %add3A_36 : i32, i32
    }
    return
  }
}

</mosaic_0001>

<sc_bundles>
// kernel: gather_offload_async_start.1
scs
__scs_entry_jumppad:
0x0: {  	(pc) =	sbr.rel $0x88, $3  }
0x1: {  	(tag) =	ssettag $0x0;
	lr =	simm.s32 $0x1  }
0x2: {  	[smem:$0x3F9B] =	sst lr;
	_ =	strace $0xD0000000  }
0x3: {  	_ = 	snop  }
0x4: {  	_ = 	snop  }
0x5: {  	_ = 	snop  }
0x6: {  	_ = 	snop  }
0x7: {  	_ = 	snop  }
__scs_overlays_trampoline_lowered:
0x8: {  	[smem:$0x3FAA] =	sst s0  }
0x9: {  	[smem:$0x3FAB] =	sst s1  }
0xa: {  	[smem:$0x3FAC] =	sst s2  }
0xb: {  	[smem:$0x3FAD] =	sst s3  }
0xc: {  	[smem:$0x3FAE] =	sst s4  }
0xd: {  	[smem:$0x3FAF] =	sst s5  }
0xe: {  	[smem:$0x3FB0] =	sst s6  }
0xf: {  	[smem:$0x3FB1] =	sst s7  }
0x10: {  	[smem:$0x3FB2] =	sst s8  }
0x11: {  	[smem:$0x3FB3] =	sst s9;
	s0 =	simm.s32 @!p0 $0x0  }
0x12: {  	s1 =	sld [smem:$0x3F99];
	s0 =	simm.s32 @p0 $0x1  }
0x13: {  	[smem:$0x3FB4] =	sst s0;
	s0 =	simm.s32 @!p1 $0x0  }
0x14: {  	s2 =	sld [smem:$0x3F98];
	s0 =	simm.s32 @p1 $0x1  }
0x15: {  	[smem:$0x3FB5] =	sst s0;
	s0 =	simm.s32 @!p2 $0x0  }
0x16: {  	s3 =	sld [smem:$0x3FDB];
	s0 =	simm.s32 @p2 $0x1  }
0x17: {  	s4 =	simm.s32 $0x1BF5;
	[smem:$0x3FB7] =	sst s0  }
0x18: {  	s0 =	sld [smem:$0x3F9A];
	_ =	swait.ge [sflag:s4], $0x0  }
0x19: {  	s7 =	sld [smem:$0x3F9B]  }
0x1a: {  	s8 =	sadd.s32 $0xFFFFE003, lr  }
0x1b: {  	s9 =	sadd.s32 $0xFFFFFEF7, lr;
	s5 =	simm.s32 $0xFFFFFFFF;
	p2 =	slt.u32 s8, $0xFFFFF086  }
0x1c: {  	p1 =	slt.u32 s9, $0xF7A;
	s5 =	simm.s32 @!p2 $0x0  }
0x1d: {  	s5 =	simm.s32 @p1 $0x1;
	p0 =	seq.s32 s7, s2  }
0x1e: {  	s7 =	smul.u32 @!p0 $0xF7A, s2;
	p2 =	seq.s32 @!p0 s5, $0x0  }
0x1f: {  	s9 =	smul.u32 $0xF7A, s1;
	s8 =	simm.s32 @!p0 $0x1BF5;
	p2 =	por !p2, p0  }
0x20: {  	[sflag:s8] =	ssyncset.s32 @!p0 $0xFFFFF086;
	s6 =	sadd.s32 @!p0 s3, s7;
	s7 =	simm.s32 @!p0 $0x108  }
0x21: {  	s3 =	sadd.s32 s3, s9;
	s6 =	sadd.s32 @!p0 $0x88, s6;
	s7 =	simm.s32 @p2 $0x1082  }
0x22: {  	[simem:s7], [sflag:s8] =	dma.local @!p0 [hbm:s6], $0xF7A  }
0x23: {  	s9 =	sor.u32 $0xD0000000, s2;
	s6 =	simm.s32 $0x108;
	_ =	swait.ge @!p0 [sflag:s8], $0x0  }
0x24: {  	s3 =	sadd.s32 $0x88, s3;
	s6 =	simm.s32 @!p1 $0x1082;
	[sflag:s4] =	ssyncset.s32 $0xFFFFF086  }
0x25: {  	[simem:s6], [sflag:s4] =	dma.local [hbm:s3], $0xF7A  }
0x26: {  	[smem:$0x3F9B] =	sst s1;
	(tag) =	ssettag s2;
	_ =	strace s9  }
0x27: {  	s1 =	sld [smem:$0x3FAB]  }
0x28: {  	s2 =	sld [smem:$0x3FAC]  }
0x29: {  	s4 =	sld [smem:$0x3FAE]  }
0x2a: {  	p0 =	seq.s32 s5, $0x0;
	s5 =	sld [smem:$0x3FAF]  }
0x2b: {  	s6 =	sld [smem:$0x3FB0]  }
0x2c: {  	s7 =	sld [smem:$0x3FB1]  }
0x2d: {  	s3 =	simm.s32 $0x108;
	s8 =	sld [smem:$0x3FB2]  }
0x2e: {  	s3 =	simm.s32 @!p0 $0x1082;
	s9 =	sld [smem:$0x3FB3]  }
0x2f: {  	lr =	sadd.s32 s0, s3;
	s0 =	sld [smem:$0x3FAA]  }
0x30: {  	s3 =	sld [smem:$0x3FAD]  }
0x31: {  	[smem:$0x3FB6] =	sst s10  }
0x32: {  	s10 =	sld [smem:$0x3FB4];
	_ =	sdelay $0x3  }
0x33: {  	p0 =	seq.s32 s10, $0x1;
	s10 =	sld [smem:$0x3FB6];
	_ =	sdelay $0x3  }
0x34: {  	[smem:$0x3FB6] =	sst s10  }
0x35: {  	s10 =	sld [smem:$0x3FB5];
	_ =	sdelay $0x3  }
0x36: {  	p1 =	seq.s32 s10, $0x1;
	s10 =	sld [smem:$0x3FB6];
	_ =	sdelay $0x3  }
0x37: {  	[smem:$0x3FB6] =	sst s10  }
0x38: {  	s10 =	sld [smem:$0x3FB7]  }
0x39: {  	_ = 	snop;
	(pc) =	sbr.ind lr, $3  }
0x3a: {  	_ = 	snop  }
0x3b: {  	_ = 	snop  }
0x3c: {  	p2 =	seq.s32 s10, $0x1;
	s10 =	sld [smem:$0x3FB6]  }
0x3d: {  	_ =	shalt  }
0x3e: {  	_ =	shalt  }
0x3f: {  	_ =	shalt  }
0x40: {  	_ =	shalt  }
0x41: {  	_ =	shalt  }
0x42: {  	_ =	shalt  }
0x43: {  	_ =	shalt  }
0x44: {  	_ =	shalt  }
0x45: {  	_ =	shalt  }
0x46: {  	_ =	shalt  }
0x47: {  	_ =	shalt  }
0x48: {  	_ =	shalt  }
0x49: {  	_ =	shalt  }
0x4a: {  	_ =	shalt  }
0x4b: {  	_ =	shalt  }
0x4c: {  	_ =	shalt  }
0x4d: {  	_ =	shalt  }
0x4e: {  	_ =	shalt  }
0x4f: {  	_ =	shalt  }
0x50: {  	_ =	shalt  }
0x51: {  	_ =	shalt  }
0x52: {  	_ =	shalt  }
0x53: {  	_ =	shalt  }
0x54: {  	_ =	shalt  }
0x55: {  	_ =	shalt  }
0x56: {  	_ =	shalt  }
0x57: {  	_ =	shalt  }
0x58: {  	_ =	shalt  }
0x59: {  	_ =	shalt  }
0x5a: {  	_ =	shalt  }
0x5b: {  	_ =	shalt  }
0x5c: {  	_ =	shalt  }
0x5d: {  	_ =	shalt  }
0x5e: {  	_ =	shalt  }
0x5f: {  	_ =	shalt  }
0x60: {  	_ =	shalt  }
0x61: {  	_ =	shalt  }
0x62: {  	_ =	shalt  }
0x63: {  	_ =	shalt  }
0x64: {  	_ =	shalt  }
0x65: {  	_ =	shalt  }
0x66: {  	_ =	shalt  }
0x67: {  	_ =	shalt  }
0x68: {  	_ =	shalt  }
0x69: {  	_ =	shalt  }
0x6a: {  	_ =	shalt  }
0x6b: {  	_ =	shalt  }
0x6c: {  	_ =	shalt  }
0x6d: {  	_ =	shalt  }
0x6e: {  	_ =	shalt  }
0x6f: {  	_ =	shalt  }
0x70: {  	_ =	shalt  }
0x71: {  	_ =	shalt  }
0x72: {  	_ =	shalt  }
0x73: {  	_ =	shalt  }
0x74: {  	_ =	shalt  }
0x75: {  	_ =	shalt  }
0x76: {  	_ =	shalt  }
0x77: {  	_ =	shalt  }
0x78: {  	_ =	shalt  }
0x79: {  	_ =	shalt  }
0x7a: {  	_ =	shalt  }
0x7b: {  	_ =	shalt  }
0x7c: {  	_ =	shalt  }
0x7d: {  	_ =	shalt  }
0x7e: {  	_ =	shalt  }
0x7f: {  	_ =	shalt  }
0x80: {  	_ =	shalt  }
0x81: {  	_ =	shalt  }
0x82: {  	_ =	shalt  }
0x83: {  	_ =	shalt  }
0x84: {  	_ =	shalt  }
0x85: {  	_ =	shalt  }
0x86: {  	_ =	shalt  }
0x87: {  	_ =	shalt  }
.Lfunc_end0:
.L_simem_size_0:
called_computation.1_lowered:
.L_overlay_start_0:
0x88: {  	s0 =	sld [smem:$0x3FD9]  }
0x89: {  	s1 =	sld [smem:$0x3FFE];
	_ =	sdelay $0x3  }
0x8a: {  	s0 =	sadd.s32 s1, s0  }
0x8b: {  	[smem:$0x3FC2] =	sst s0  }
0x8c: {  	_ = 	snop  }
0x8d: {  	s0 =	sld [smem:$0x3FD0];
	_ =	sdelay $0x2  }
0x8e: {  	s13 =	simm.s32 $0xB;
	s2 =	simm.s32 $0x10  }
0x8f: {  	[smem:s2], [sflag:s13] =	dma.local [hbm:s0], $0x1  }
0x90: {  	_ =	swait.eq [sflag:s13], $0x1  }
0x91: {  	[sflag:s13] =	ssyncset.done $0x0  }
0x92: {  	[sflag:s13] =	ssyncadd.s32 $0xFFFFFFFF  }
0x93: {  	s14 =	sld [smem:$0x12];
	(tm) =	ssettm $0x1  }
0x94: {  	s15 =	sld [smem:$0x3FFB];
	_ =	sdelay $0x3  }
0x95: {  	_ =	strace s15  }
0x96: {  	s1 =	sld [smem:$0x3FFC];
	_ =	sdelay $0x3  }
0x97: {  	_ =	strace s1  }
0x98: {  	s1 =	sld [smem:$0x3FFD];
	_ =	sdelay $0x3  }
0x99: {  	_ =	strace s1  }
0x9a: {  	_ =	strace $0x8FFFFFFF  }
0x9b: {  	s16 =	sld [smem:$0x3FDB];
	_ =	sdelay $0x1  }
0x9c: {  	s17 =	simm.s32 $_scs_section_size  }
0x9d: {  	s3 =	simm.s32 $_size__tile_overlayer_lowered;
	s4 =	simm.s32 $_tile_overlayer_lowered  }
0x9e: {  	s20 =	simm.s32 $0x1BFF;
	s19 =	sshll.u32 s4, $0x1;
	s1 =	sadd.s32 s17, s16  }
0x9f: {  	s5 =	simm.s32 $0x0;
	s18 =	sshll.u32 s3, $0x1;
	s3 =	sadd.s32 s19, s1  }
0xa0: {  	[timem:s5], [sflag:s20] =	dma.local [hbm:s3], s18  }
0xa1: {  	_ =	swait.ge [sflag:s20], s18  }
0xa2: {  	s2 =	ssub.s32 $0x0, s18;
	[sflag:s20] =	ssyncset.done $0x0  }
0xa3: {  	[sflag:s20] =	ssyncadd.s32 s2;
	_ =	sdelay $0x1  }
0xa4: {  	s21 =	simm.s32 $0x1B8B  }
0xa5: {  	_ =	swait.ge [sflag:s21], $0x1  }
0xa6: {  	[sflag:s21] =	ssyncset.done $0x0  }
0xa7: {  	s23 =	simm.s32 $0x1B8E;
	s22 =	sld [smem:$0x3FFE];
	[sflag:s21] =	ssyncadd.s32 $0xFFFFFFFF  }
0xa8: {  	s24 =	simm.s32 $execute0_lowered;
	[smem:$0x3FD2] =	sst s23  }
0xa9: {  	s3 =	sshll.u32 s24, $0x1;
	_ =	strace $0x80000049;
	[dreg:$0x1] =	wrdreg $0xFFFFFFFF  }
0xaa: {  	s25 =	simm.s32 $_size_execute0_lowered;
	s1 =	sadd.s32 s1, s3;
	[dreg:$0x0] =	wrdreg $0x0  }
0xab: {  	s3 =	sshll.u32 s25, $0x1;
	[dreg:$0x2] =	wrdreg s1  }
0xac: {  	[dreg:$0x3] =	wrdreg s3  }
0xad: {  	[dreg:$0x4] =	wrdreg $0xC0  }
0xae: {  	_ =	task [dreg:s5], $0x5FFFF  }
0xaf: {  	[dreg:$0x1] =	wrdreg $0xFFFFFFFF  }
0xb0: {  	[dreg:$0x0] =	wrdreg $0x60  }
0xb1: {  	[dreg:$0x2] =	wrdreg s22  }
0xb2: {  	[dreg:$0x3] =	wrdreg s14  }
0xb3: {  	[dreg:$0x4] =	wrdreg $0xA  }
0xb4: {  	_ =	task.clear_ibuf [dreg:s5], $0x5FFFF;
	_ =	strace $0x90000049  }
0xb5: {  	s26 =	simm.s32 $0xA;
	_ =	strace $0x8000004B  }
0xb6: {  	_ =	swait.ge [sflag:s26], $0x1  }
0xb7: {  	[sflag:s26] =	ssyncadd.s32 $0xFFFFFFFF  }
0xb8: {  	_ =	strace $0x9000004B  }
0xb9: {  	_ =	sfence  }
0xba: {  	s28 =	sld [smem:$0x0];
	_ =	sdelay $0x1  }
0xbb: {  	s29 =	srdreg.scid  }
0xbc: {  	s30 =	sshll.u32 s29, $0xD;
	s31 =	sshrl.u32 s29, $0x2  }
0xbd: {  	s2 =	sand.u32 $0x4000, s30;
	s1 =	sand.u32 $0x1, s29;
	s0 =	sadd.s32 s31, s28  }
0xbe: {  	s1 =	sor.u32 s2, s1;
	s0 =	sshll.u32 s0, $0x11  }
0xbf: {  	s0 =	sor.u32 s0, s1  }
0xc0: {  	s0 =	sadd.s32 $0x8F2B, s0  }
0xc1: {  	[sflag:s0] =	ssyncadd.remote.s32 $0x1  }
0xc2: {  	_ =	sfence.sel $0xFFFF  }
0xc3: {  	[dreg:$0x0] =	wrdreg $0xFFFFFFFF;
	(pc) =	sbr.abs _section_cstart, $3  }
0xc4: {  	[dreg:$0x1] =	wrdreg $0xFFFFFFFF  }
0xc5: {  	_ =	task.clear_ibuf [dreg:s5], $0x2FFFF;
	_ =	strace $0x9FFFFFFF  }
0xc6: {  	(tm) =	ssettm $0x7FFFFFFF  }
0xc7: {  	_ =	shalt  }
tec
execute0_lowered:
.L_overlay_start_1:
0x0: {  	(tag) =	ssettag $0x1  }
0x1: {  	s0 =	stileid.u32  }
0x2: {  	s1 =	smin.u32 s0, $0x9  }
0x3: {  	s1 =	sadd.s32 s0, s1  }
0x4: {  	s2 =	simm.s32 $0xA0;
	p0 =	slt.u32 s0, $0x9;
	s1 =	smul.u32 $0x50, s1  }
0x5: {  	s2 =	simm.s32 @!p0 $0x50  }
0x6: {  	s2 =	sadd.s32 s2, s1  }
0x7: {  	s3 =	smin.u32 s2, $0x7D0  }
0x8: {  	s7 =	ssub.s32 s3, s1  }
0x9: {  	p0 =	sgt.s32 s7, $0x0  }
0xa: {  	s7 =	simm.s32 @!p0 $0x0  }
0xb: {  	s9 =	rddreg [dreg:$0x0];
	s31 =	smul.u32 $0xCCCD, s7  }
0xc: {  	s4 =	rddreg [dreg:$0x1];
	s6 =	simm.s32 $0x1  }
0xd: {  	s11 =	simm.s32 $0x3;
	s13 =	simm.s32 $0x0;
	s8 =	sshrl.u32 s31, $0x16  }
0xe: {  	s12 =	simm.s32 $0x0;
	s5 =	sadd.s32 $0x777000, s9;
	s10 =	smul.u32 $0x50, s8  }
.Ltmp0:
0xf: {  	s9 =	sadd.s32 $0x11F600, s9;
	s2 =	rddreg [dreg:$0x2];
	(pc) =	sbr.rel .LBB2_1-.Ltmp0, $4  }
0x10: {  	_ =	strace $0x8000004A;
	p0 =	sne.s32 s7, s10;
	s10 =	simm.s32 $0x1  }
0x11: {  	[sflag:s6] =	ssyncpa.u1 $0x0;
	s7 =	simm.s32 $0x2;
	s10 =	simm.s32 @!p0 $0x0  }
0x12: {  	[sflag:s7] =	ssyncpa.u1 $0x0;
	p0 =	por $0x0, $0x0;
	s8 =	sadd.s32 s8, s10  }
0x13: {  	vm0 =	vmmov $0xff;
	vm1 =	vcmask $0x3F20;
	[sflag:s11] =	ssyncpa.u1 $0x0;
	s11 =	smov.u32 s1;
	s10 =	sadd.s32 $0x1, s8  }
.LBB2_6:
0x14: {  	[hbm:s17] =	stream.linear.scatter [tilespmem:s14], [sflag:$0x3], $0x400, $0x38;
	[tilespmem:$0x50A0] =	vst v63  }
.LBB2_7:
0x15: {  	s13 =	sadd.s32 $0x50, s11  }
0x16: {  	s15 =	smov.u32 s1;
	p2 =	slt.s32 s13, s3  }
0x17: {  	s15 =	smov.u32 @p2 s13;
	p2 =	sne.s32 s12, s10  }
.Ltmp1:
0x18: {  	p1 =	slt.u32 s12, $0x2;
	(pc) =	sbr.rel @!p2 .LBB2_8-.Ltmp1, $4  }
0x19: {  	s14 =	simm.s32 @!p1 $0x3  }
0x1a: {  	s16 =	sadd.s32 $0x1, s12;
	_ =	swait.ge @!p1 [sflag:s14], $0x2800  }
0x1b: {  	p0 =	por !p0, !p0;
	s13 =	smov.u32 s11;
	[sflag:s14] =	ssyncset.done @!p1 $0x0  }
0x1c: {  	s12 =	smov.u32 s16;
	s11 =	smov.u32 s15;
	[sflag:s14] =	ssyncadd.s32 @!p1 $0xFFFFD800  }
.LBB2_1:
0x1d: {  	p1 =	sge.u32 s12, s8  }
0x1e: {  	s14 =	sxor.u32 @!p1 $0xFFFFFFFF, s12  }
0x1f: {  	s14 =	sand.u32 @!p1 $0x1, s14  }
0x20: {  	s14 =	smul.u32 @!p1 $0x140, s14  }
0x21: {  	s31 =	sadd.s32 $0xFFFFFFFF, s12;
	s15 =	sshrl.u32 @!p1 s11, $0x3  }
0x22: {  	s16 =	sand.u32 @!p1 $0x7, s11;
	s15 =	sadd.s32 @!p1 s4, s15;
	s14 =	sshrl.u32 @!p1 s14, $0x2  }
0x23: {  	[tilespmem:s14], [sflag:$0x2] =	stream.linear.gather @!p1 [hbm4b:s15+s16], $0x50, $0x38;
	[tilespmem:$0x50A0] =	vst v63  }
0x24: {  	p1 =	sge.u32 s31, s8  }
.Ltmp2:
0x25: {  	_ = 	snop;
	(pc) =	sbr.rel @p1 .LBB2_7-.Ltmp2, $1  }
0x26: {  	_ =	sdelay $0x3  }
0x27: {  	s14 =	simm.s32 $0x1  }
0x28: {  	s14 =	simm.s32 @!p0 $0x0  }
0x29: {  	s15 =	smul.u32 $0x140, s14  }
0x2a: {  	_ =	swait.ge [sflag:s7], $0x50  }
0x2b: {  	[sflag:s7] =	ssyncset.done $0x0;
	s16 =	sshrl.u32 s15, $0x2  }
0x2c: {  	[sflag:s7] =	ssyncadd.s32 $0xFFFFFFB0;
	s15 =	sadd.s32 $0x0, s16  }
0x2d: {  	v0 =	vld.msk [tilespmem:s15+$0x0 ss:$0x1], $0xffff;
	_ =	sdelay $0x4  }
0x2e: {  	vm2 =	vgt.s32 v0, $0x0  }
0x2f: {  	v0 =	vnsel vm2, $0x0, v0  }
0x30: {  	v0 =	vmin.u32 v0, $0x332FF  }
0x31: {  	v0 =	vshll.u32 v0, $0x4  }
0x32: {  	s14 =	smul.u32 $0xA000, s14;
	_ =	sdelay $0x1  }
0x33: {  	s14 =	sshrl.u32 s14, $0x2  }
0x34: {  	s14 =	sor.u32 $0xA0, s14  }
0x35: {  	[tilespmem:s14], [sflag:$0x1] =	stream.indirect_vreg.gather [hbm:s5], $0x80, v0, vm0, $0x38;
	[tilespmem:$0x50A0] =	vst v63  }
0x36: {  	s17 =	sadd.s32 $0x10, s16;
	s15 =	sadd.s32 $0x400, s14  }
0x37: {  	[tilespmem:s15], [sflag:$0x1] =	stream.indirect_vreg.gather [hbm:s5], $0x80, v0, vm1, $0x38;
	[tilespmem:$0x50A0] =	vst v63  }
0x38: {  	s18 =	simm.s32 $0x80;
	v0 =	vld.msk [tilespmem:s17+$0x0 ss:$0x1], $0xffff;
	s17 =	smov.u32 s14  }
.LBB2_3:
0x39: {  	p1 =	sne.s32 s18, $0x100;
	_ =	sdelay $0x4  }
0x3a: {  	vm2 =	vgt.s32 v0, $0x0  }
0x3b: {  	v0 =	vnsel vm2, $0x0, v0  }
0x3c: {  	v0 =	vmin.u32 v0, $0x332FF  }
0x3d: {  	v0 =	vshll.u32 v0, $0x4;
	_ =	sdelay $0x3  }
.Ltmp3:
0x3e: {  	s19 =	sshra.s32 s18, $0x2;
	s17 =	sadd.s32 $0x800, s17;
	(pc) =	sbr.rel @p1 .LBB2_3-.Ltmp3, $4  }
0x3f: {  	[tilespmem:s17], [sflag:$0x1] =	stream.indirect_vreg.gather [hbm:s5], $0x80, v0, vm0, $0x38;
	[tilespmem:$0x50A0] =	vst v63  }
0x40: {  	s19 =	sadd.s32 s19, s16;
	s20 =	sadd.s32 $0x400, s17  }
0x41: {  	[tilespmem:s20], [sflag:$0x1] =	stream.indirect_vreg.gather [hbm:s5], $0x80, v0, vm1, $0x38;
	[tilespmem:$0x50A0] =	vst v63  }
0x42: {  	s18 =	sadd.s32 $0x40, s18;
	v0 =	vld.msk [tilespmem:s19+$0x0 ss:$0x1], $0xffff  }
0x43: {  	_ =	sdelay $0x3  }
0x44: {  	vm2 =	vgt.s32 v0, $0x0  }
0x45: {  	v0 =	vnsel vm2, $0x0, v0  }
0x46: {  	v0 =	vmin.u32 v0, $0x332FF  }
0x47: {  	v0 =	vshll.u32 v0, $0x4;
	_ =	sdelay $0x3  }
0x48: {  	s16 =	sadd.s32 $0x800, s17  }
0x49: {  	[tilespmem:s16], [sflag:$0x1] =	stream.indirect_vreg.gather [hbm:s5], $0x80, v0, vm0, $0x38;
	[tilespmem:$0x50A0] =	vst v63  }
0x4a: {  	s16 =	sadd.s32 $0x400, s16  }
0x4b: {  	[tilespmem:s16], [sflag:$0x1] =	stream.indirect_vreg.gather [hbm:s5], $0x80, v0, vm1, $0x38;
	[tilespmem:$0x50A0] =	vst v63  }
0x4c: {  	s13 =	sshll.u32 s13, $0x4;
	_ =	swait.ge [sflag:s6], $0x2800  }
0x4d: {  	s13 =	sadd.s32 s13, s9;
	[sflag:s6] =	ssyncset.done $0x0  }
0x4e: {  	s17 =	sadd.s32 $0x0, s13;
	s16 =	simm.s32 $0x80;
	[sflag:s6] =	ssyncadd.s32 $0xFFFFD800  }
.LBB2_5:
0x4f: {  	[hbm:s17] =	stream.linear.scatter [tilespmem:s14], [sflag:$0x3], $0x400, $0x38;
	[tilespmem:$0x50A0] =	vst v63  }
0x50: {  	s17 =	smov.u32 s16;
	s14 =	smov.u32 s15;
	p1 =	sne.s32 s16, $0x480  }
.Ltmp4:
0x51: {  	s16 =	sadd.s32 $0x80, s16;
	(pc) =	sbr.rel @p1 .LBB2_5-.Ltmp4, $2  }
0x52: {  	_ =	sdelay $0x2  }
0x53: {  	s15 =	sadd.s32 $0x400, s15;
	s17 =	sadd.s32 s17, s13  }
.Ltmp5:
0x54: {  	_ = 	snop;
	(pc) =	sbr.rel .LBB2_6-.Ltmp5, $1  }
0x55: {  	_ =	sdelay $0x3  }
.LBB2_8:
0x56: {  	_ =	sfence.sel $0x180000  }
0x57: {  	s1 =	simm.s32 $0x2;
	[bflag:$0x0] =	sbarrier.arrive $0xFFFF  }
0x58: {  	s30 =	simm.s32 $0x3;
	[sflag:s1] =	ssyncpa.u1 $0x1  }
0x59: {  	s31 =	simm.s32 $0x1;
	[sflag:s30] =	ssyncpa.u1 $0x1  }
0x5a: {  	[sflag:s31] =	ssyncpa.u1 $0x1  }
0x5b: {  	p0 =	sne.s32 s0, $0x0;
	_ =	strace $0x9000004A  }
0x5c: {  	s0 =	sadd.s32 @!p0 $0x100000, s2;
	[bflag:$0x2] =	sbarrier.arrive $0xFFFF  }
0x5d: {  	[sflag:s0] =	ssyncadd.tile.s32 @!p0 $0x1;
	_ =	shalt  }
.Lfunc_end2:
_tile_overlayer_lowered:
.L_overlay_start_2:
0x5e: {  	(tag) =	ssettag $0x2  }
0x5f: {  	s0 =	rddreg [dreg:$0x0];
	s2 =	stileid.u32  }
0x60: {  	s1 =	rddreg [dreg:$0x1];
	p0 =	sne.s32 s2, $0x0  }
0x61: {  	s3 =	rddreg [dreg:$0x2];
	[bflag:$0x3] =	sbarrier.arrive $0xFFFF;
	s2 =	simm.s32 @!p0 $0x1C01  }
0x62: {  	[timem:s3], [sflag:s2] =	dma.local @!p0 [hbm:s0], s1  }
0x63: {  	s0 =	simm.s32 @!p0 $0x1  }
0x64: {  	_ =	swait.ge @!p0 [sflag:s0], s1  }
0x65: {  	s1 =	ssub.s32 @!p0 $0x0, s1;
	[sflag:s0] =	ssyncset.done @!p0 $0x0  }
0x66: {  	[sflag:s0] =	ssyncadd.s32 @!p0 s1  }
0x67: {  	[bflag:$0x3] =	sbarrier.arrive $0xFFFF  }
0x68: {  	_ =	shalt  }

// kernel: gather_offload_async_start
scs
__scs_entry_jumppad:
0x0: {  	(pc) =	sbr.rel $0x88, $3  }
0x1: {  	(tag) =	ssettag $0x0;
	lr =	simm.s32 $0x1  }
0x2: {  	[smem:$0x3F9B] =	sst lr;
	_ =	strace $0xD0000000  }
0x3: {  	_ = 	snop  }
0x4: {  	_ = 	snop  }
0x5: {  	_ = 	snop  }
0x6: {  	_ = 	snop  }
0x7: {  	_ = 	snop  }
__scs_overlays_trampoline_lowered:
0x8: {  	[smem:$0x3FAA] =	sst s0  }
0x9: {  	[smem:$0x3FAB] =	sst s1  }
0xa: {  	[smem:$0x3FAC] =	sst s2  }
0xb: {  	[smem:$0x3FAD] =	sst s3  }
0xc: {  	[smem:$0x3FAE] =	sst s4  }
0xd: {  	[smem:$0x3FAF] =	sst s5  }
0xe: {  	[smem:$0x3FB0] =	sst s6  }
0xf: {  	[smem:$0x3FB1] =	sst s7  }
0x10: {  	[smem:$0x3FB2] =	sst s8  }
0x11: {  	[smem:$0x3FB3] =	sst s9;
	s0 =	simm.s32 @!p0 $0x0  }
0x12: {  	s1 =	sld [smem:$0x3F99];
	s0 =	simm.s32 @p0 $0x1  }
0x13: {  	[smem:$0x3FB4] =	sst s0;
	s0 =	simm.s32 @!p1 $0x0  }
0x14: {  	s2 =	sld [smem:$0x3F98];
	s0 =	simm.s32 @p1 $0x1  }
0x15: {  	[smem:$0x3FB5] =	sst s0;
	s0 =	simm.s32 @!p2 $0x0  }
0x16: {  	s3 =	sld [smem:$0x3FDB];
	s0 =	simm.s32 @p2 $0x1  }
0x17: {  	s4 =	simm.s32 $0x1BF5;
	[smem:$0x3FB7] =	sst s0  }
0x18: {  	s0 =	sld [smem:$0x3F9A];
	_ =	swait.ge [sflag:s4], $0x0  }
0x19: {  	s7 =	sld [smem:$0x3F9B]  }
0x1a: {  	s8 =	sadd.s32 $0xFFFFE003, lr  }
0x1b: {  	s9 =	sadd.s32 $0xFFFFFEF7, lr;
	s5 =	simm.s32 $0xFFFFFFFF;
	p2 =	slt.u32 s8, $0xFFFFF086  }
0x1c: {  	p1 =	slt.u32 s9, $0xF7A;
	s5 =	simm.s32 @!p2 $0x0  }
0x1d: {  	s5 =	simm.s32 @p1 $0x1;
	p0 =	seq.s32 s7, s2  }
0x1e: {  	s7 =	smul.u32 @!p0 $0xF7A, s2;
	p2 =	seq.s32 @!p0 s5, $0x0  }
0x1f: {  	s9 =	smul.u32 $0xF7A, s1;
	s8 =	simm.s32 @!p0 $0x1BF5;
	p2 =	por !p2, p0  }
0x20: {  	[sflag:s8] =	ssyncset.s32 @!p0 $0xFFFFF086;
	s6 =	sadd.s32 @!p0 s3, s7;
	s7 =	simm.s32 @!p0 $0x108  }
0x21: {  	s3 =	sadd.s32 s3, s9;
	s6 =	sadd.s32 @!p0 $0x88, s6;
	s7 =	simm.s32 @p2 $0x1082  }
0x22: {  	[simem:s7], [sflag:s8] =	dma.local @!p0 [hbm:s6], $0xF7A  }
0x23: {  	s9 =	sor.u32 $0xD0000000, s2;
	s6 =	simm.s32 $0x108;
	_ =	swait.ge @!p0 [sflag:s8], $0x0  }
0x24: {  	s3 =	sadd.s32 $0x88, s3;
	s6 =	simm.s32 @!p1 $0x1082;
	[sflag:s4] =	ssyncset.s32 $0xFFFFF086  }
0x25: {  	[simem:s6], [sflag:s4] =	dma.local [hbm:s3], $0xF7A  }
0x26: {  	[smem:$0x3F9B] =	sst s1;
	(tag) =	ssettag s2;
	_ =	strace s9  }
0x27: {  	s1 =	sld [smem:$0x3FAB]  }
0x28: {  	s2 =	sld [smem:$0x3FAC]  }
0x29: {  	s4 =	sld [smem:$0x3FAE]  }
0x2a: {  	p0 =	seq.s32 s5, $0x0;
	s5 =	sld [smem:$0x3FAF]  }
0x2b: {  	s6 =	sld [smem:$0x3FB0]  }
0x2c: {  	s7 =	sld [smem:$0x3FB1]  }
0x2d: {  	s3 =	simm.s32 $0x108;
	s8 =	sld [smem:$0x3FB2]  }
0x2e: {  	s3 =	simm.s32 @!p0 $0x1082;
	s9 =	sld [smem:$0x3FB3]  }
0x2f: {  	lr =	sadd.s32 s0, s3;
	s0 =	sld [smem:$0x3FAA]  }
0x30: {  	s3 =	sld [smem:$0x3FAD]  }
0x31: {  	[smem:$0x3FB6] =	sst s10  }
0x32: {  	s10 =	sld [smem:$0x3FB4];
	_ =	sdelay $0x3  }
0x33: {  	p0 =	seq.s32 s10, $0x1;
	s10 =	sld [smem:$0x3FB6];
	_ =	sdelay $0x3  }
0x34: {  	[smem:$0x3FB6] =	sst s10  }
0x35: {  	s10 =	sld [smem:$0x3FB5];
	_ =	sdelay $0x3  }
0x36: {  	p1 =	seq.s32 s10, $0x1;
	s10 =	sld [smem:$0x3FB6];
	_ =	sdelay $0x3  }
0x37: {  	[smem:$0x3FB6] =	sst s10  }
0x38: {  	s10 =	sld [smem:$0x3FB7]  }
0x39: {  	_ = 	snop;
	(pc) =	sbr.ind lr, $3  }
0x3a: {  	_ = 	snop  }
0x3b: {  	_ = 	snop  }
0x3c: {  	p2 =	seq.s32 s10, $0x1;
	s10 =	sld [smem:$0x3FB6]  }
0x3d: {  	_ =	shalt  }
0x3e: {  	_ =	shalt  }
0x3f: {  	_ =	shalt  }
0x40: {  	_ =	shalt  }
0x41: {  	_ =	shalt  }
0x42: {  	_ =	shalt  }
0x43: {  	_ =	shalt  }
0x44: {  	_ =	shalt  }
0x45: {  	_ =	shalt  }
0x46: {  	_ =	shalt  }
0x47: {  	_ =	shalt  }
0x48: {  	_ =	shalt  }
0x49: {  	_ =	shalt  }
0x4a: {  	_ =	shalt  }
0x4b: {  	_ =	shalt  }
0x4c: {  	_ =	shalt  }
0x4d: {  	_ =	shalt  }
0x4e: {  	_ =	shalt  }
0x4f: {  	_ =	shalt  }
0x50: {  	_ =	shalt  }
0x51: {  	_ =	shalt  }
0x52: {  	_ =	shalt  }
0x53: {  	_ =	shalt  }
0x54: {  	_ =	shalt  }
0x55: {  	_ =	shalt  }
0x56: {  	_ =	shalt  }
0x57: {  	_ =	shalt  }
0x58: {  	_ =	shalt  }
0x59: {  	_ =	shalt  }
0x5a: {  	_ =	shalt  }
0x5b: {  	_ =	shalt  }
0x5c: {  	_ =	shalt  }
0x5d: {  	_ =	shalt  }
0x5e: {  	_ =	shalt  }
0x5f: {  	_ =	shalt  }
0x60: {  	_ =	shalt  }
0x61: {  	_ =	shalt  }
0x62: {  	_ =	shalt  }
0x63: {  	_ =	shalt  }
0x64: {  	_ =	shalt  }
0x65: {  	_ =	shalt  }
0x66: {  	_ =	shalt  }
0x67: {  	_ =	shalt  }
0x68: {  	_ =	shalt  }
0x69: {  	_ =	shalt  }
0x6a: {  	_ =	shalt  }
0x6b: {  	_ =	shalt  }
0x6c: {  	_ =	shalt  }
0x6d: {  	_ =	shalt  }
0x6e: {  	_ =	shalt  }
0x6f: {  	_ =	shalt  }
0x70: {  	_ =	shalt  }
0x71: {  	_ =	shalt  }
0x72: {  	_ =	shalt  }
0x73: {  	_ =	shalt  }
0x74: {  	_ =	shalt  }
0x75: {  	_ =	shalt  }
0x76: {  	_ =	shalt  }
0x77: {  	_ =	shalt  }
0x78: {  	_ =	shalt  }
0x79: {  	_ =	shalt  }
0x7a: {  	_ =	shalt  }
0x7b: {  	_ =	shalt  }
0x7c: {  	_ =	shalt  }
0x7d: {  	_ =	shalt  }
0x7e: {  	_ =	shalt  }
0x7f: {  	_ =	shalt  }
0x80: {  	_ =	shalt  }
0x81: {  	_ =	shalt  }
0x82: {  	_ =	shalt  }
0x83: {  	_ =	shalt  }
0x84: {  	_ =	shalt  }
0x85: {  	_ =	shalt  }
0x86: {  	_ =	shalt  }
0x87: {  	_ =	shalt  }
.Lfunc_end0:
.L_simem_size_0:
called_computation_lowered:
.L_overlay_start_0:
0x88: {  	s0 =	sld [smem:$0x3FD9]  }
0x89: {  	s1 =	sld [smem:$0x3FFE];
	_ =	sdelay $0x3  }
0x8a: {  	s0 =	sadd.s32 s1, s0  }
0x8b: {  	[smem:$0x3FC2] =	sst s0  }
0x8c: {  	_ = 	snop  }
0x8d: {  	s0 =	sld [smem:$0x3FD0];
	_ =	sdelay $0x2  }
0x8e: {  	s13 =	simm.s32 $0xB;
	s2 =	simm.s32 $0x10  }
0x8f: {  	[smem:s2], [sflag:s13] =	dma.local [hbm:s0], $0x1  }
0x90: {  	_ =	swait.eq [sflag:s13], $0x1  }
0x91: {  	[sflag:s13] =	ssyncset.done $0x0  }
0x92: {  	[sflag:s13] =	ssyncadd.s32 $0xFFFFFFFF  }
0x93: {  	s14 =	sld [smem:$0x12];
	(tm) =	ssettm $0x1  }
0x94: {  	s15 =	sld [smem:$0x3FFB];
	_ =	sdelay $0x3  }
0x95: {  	_ =	strace s15  }
0x96: {  	s1 =	sld [smem:$0x3FFC];
	_ =	sdelay $0x3  }
0x97: {  	_ =	strace s1  }
0x98: {  	s1 =	sld [smem:$0x3FFD];
	_ =	sdelay $0x3  }
0x99: {  	_ =	strace s1  }
0x9a: {  	_ =	strace $0x8FFFFFFF  }
0x9b: {  	s16 =	sld [smem:$0x3FDB];
	_ =	sdelay $0x1  }
0x9c: {  	s17 =	simm.s32 $_scs_section_size  }
0x9d: {  	s3 =	simm.s32 $_size__tile_overlayer_lowered;
	s4 =	simm.s32 $_tile_overlayer_lowered  }
0x9e: {  	s20 =	simm.s32 $0x1BFF;
	s19 =	sshll.u32 s4, $0x1;
	s1 =	sadd.s32 s17, s16  }
0x9f: {  	s5 =	simm.s32 $0x0;
	s18 =	sshll.u32 s3, $0x1;
	s3 =	sadd.s32 s19, s1  }
0xa0: {  	[timem:s5], [sflag:s20] =	dma.local [hbm:s3], s18  }
0xa1: {  	_ =	swait.ge [sflag:s20], s18  }
0xa2: {  	s2 =	ssub.s32 $0x0, s18;
	[sflag:s20] =	ssyncset.done $0x0  }
0xa3: {  	[sflag:s20] =	ssyncadd.s32 s2;
	_ =	sdelay $0x1  }
0xa4: {  	s21 =	simm.s32 $0x1B8B  }
0xa5: {  	_ =	swait.ge [sflag:s21], $0x1  }
0xa6: {  	[sflag:s21] =	ssyncset.done $0x0  }
0xa7: {  	s23 =	simm.s32 $0x1B8E;
	s22 =	sld [smem:$0x3FFE];
	[sflag:s21] =	ssyncadd.s32 $0xFFFFFFFF  }
0xa8: {  	s24 =	simm.s32 $execute0_lowered;
	[smem:$0x3FD2] =	sst s23  }
0xa9: {  	s3 =	sshll.u32 s24, $0x1;
	_ =	strace $0x80000046;
	[dreg:$0x1] =	wrdreg $0xFFFFFFFF  }
0xaa: {  	s25 =	simm.s32 $_size_execute0_lowered;
	s1 =	sadd.s32 s1, s3;
	[dreg:$0x0] =	wrdreg $0x0  }
0xab: {  	s3 =	sshll.u32 s25, $0x1;
	[dreg:$0x2] =	wrdreg s1  }
0xac: {  	[dreg:$0x3] =	wrdreg s3  }
0xad: {  	[dreg:$0x4] =	wrdreg $0xC0  }
0xae: {  	_ =	task [dreg:s5], $0x5FFFF  }
0xaf: {  	[dreg:$0x1] =	wrdreg $0xFFFFFFFF  }
0xb0: {  	[dreg:$0x0] =	wrdreg $0x60  }
0xb1: {  	[dreg:$0x2] =	wrdreg s22  }
0xb2: {  	[dreg:$0x3] =	wrdreg s14  }
0xb3: {  	[dreg:$0x4] =	wrdreg $0x9  }
0xb4: {  	_ =	task.clear_ibuf [dreg:s5], $0x5FFFF;
	_ =	strace $0x90000046  }
0xb5: {  	s26 =	simm.s32 $0x9;
	_ =	strace $0x80000048  }
0xb6: {  	_ =	swait.ge [sflag:s26], $0x1  }
0xb7: {  	[sflag:s26] =	ssyncadd.s32 $0xFFFFFFFF  }
0xb8: {  	_ =	strace $0x90000048  }
0xb9: {  	_ =	sfence  }
0xba: {  	s28 =	sld [smem:$0x0];
	_ =	sdelay $0x1  }
0xbb: {  	s29 =	srdreg.scid  }
0xbc: {  	s30 =	sshll.u32 s29, $0xD;
	s31 =	sshrl.u32 s29, $0x2  }
0xbd: {  	s2 =	sand.u32 $0x4000, s30;
	s1 =	sand.u32 $0x1, s29;
	s0 =	sadd.s32 s31, s28  }
0xbe: {  	s1 =	sor.u32 s2, s1;
	s0 =	sshll.u32 s0, $0x11  }
0xbf: {  	s0 =	sor.u32 s0, s1  }
0xc0: {  	s0 =	sadd.s32 $0x8F2B, s0  }
0xc1: {  	[sflag:s0] =	ssyncadd.remote.s32 $0x1  }
0xc2: {  	_ =	sfence.sel $0xFFFF  }
0xc3: {  	[dreg:$0x0] =	wrdreg $0xFFFFFFFF;
	(pc) =	sbr.abs _section_cstart, $3  }
0xc4: {  	[dreg:$0x1] =	wrdreg $0xFFFFFFFF  }
0xc5: {  	_ =	task.clear_ibuf [dreg:s5], $0x2FFFF;
	_ =	strace $0x9FFFFFFF  }
0xc6: {  	(tm) =	ssettm $0x7FFFFFFF  }
0xc7: {  	_ =	shalt  }
tec
execute0_lowered:
.L_overlay_start_1:
0x0: {  	(tag) =	ssettag $0x1  }
0x1: {  	s0 =	stileid.u32  }
0x2: {  	s1 =	smin.u32 s0, $0x9  }
0x3: {  	s1 =	sadd.s32 s0, s1  }
0x4: {  	s2 =	simm.s32 $0xA0;
	p0 =	slt.u32 s0, $0x9;
	s1 =	smul.u32 $0x50, s1  }
0x5: {  	s2 =	simm.s32 @!p0 $0x50  }
0x6: {  	s2 =	sadd.s32 s2, s1  }
0x7: {  	s3 =	smin.u32 s2, $0x7D0  }
0x8: {  	s7 =	ssub.s32 s3, s1  }
0x9: {  	p0 =	sgt.s32 s7, $0x0  }
0xa: {  	s7 =	simm.s32 @!p0 $0x0  }
0xb: {  	s9 =	rddreg [dreg:$0x0];
	s31 =	smul.u32 $0xCCCD, s7  }
0xc: {  	s4 =	rddreg [dreg:$0x1];
	s6 =	simm.s32 $0x1  }
0xd: {  	s11 =	simm.s32 $0x3;
	s13 =	simm.s32 $0x0;
	s8 =	sshrl.u32 s31, $0x16  }
0xe: {  	s12 =	simm.s32 $0x0;
	s5 =	sadd.s32 $0x333000, s9;
	s10 =	smul.u32 $0x50, s8  }
.Ltmp0:
0xf: {  	s9 =	sadd.s32 $0x117800, s9;
	s2 =	rddreg [dreg:$0x2];
	(pc) =	sbr.rel .LBB2_1-.Ltmp0, $4  }
0x10: {  	_ =	strace $0x80000047;
	p0 =	sne.s32 s7, s10;
	s10 =	simm.s32 $0x1  }
0x11: {  	[sflag:s6] =	ssyncpa.u1 $0x0;
	s7 =	simm.s32 $0x2;
	s10 =	simm.s32 @!p0 $0x0  }
0x12: {  	[sflag:s7] =	ssyncpa.u1 $0x0;
	p0 =	por $0x0, $0x0;
	s8 =	sadd.s32 s8, s10  }
0x13: {  	vm0 =	vmmov $0xff;
	vm1 =	vcmask $0x3F20;
	[sflag:s11] =	ssyncpa.u1 $0x0;
	s11 =	smov.u32 s1;
	s10 =	sadd.s32 $0x1, s8  }
.LBB2_6:
0x14: {  	[hbm:s17] =	stream.linear.scatter [tilespmem:s14], [sflag:$0x3], $0x400, $0x38;
	[tilespmem:$0x50A0] =	vst v63  }
.LBB2_7:
0x15: {  	s13 =	sadd.s32 $0x50, s11  }
0x16: {  	s15 =	smov.u32 s1;
	p2 =	slt.s32 s13, s3  }
0x17: {  	s15 =	smov.u32 @p2 s13;
	p2 =	sne.s32 s12, s10  }
.Ltmp1:
0x18: {  	p1 =	slt.u32 s12, $0x2;
	(pc) =	sbr.rel @!p2 .LBB2_8-.Ltmp1, $4  }
0x19: {  	s14 =	simm.s32 @!p1 $0x3  }
0x1a: {  	s16 =	sadd.s32 $0x1, s12;
	_ =	swait.ge @!p1 [sflag:s14], $0x2800  }
0x1b: {  	p0 =	por !p0, !p0;
	s13 =	smov.u32 s11;
	[sflag:s14] =	ssyncset.done @!p1 $0x0  }
0x1c: {  	s12 =	smov.u32 s16;
	s11 =	smov.u32 s15;
	[sflag:s14] =	ssyncadd.s32 @!p1 $0xFFFFD800  }
.LBB2_1:
0x1d: {  	p1 =	sge.u32 s12, s8  }
0x1e: {  	s14 =	sxor.u32 @!p1 $0xFFFFFFFF, s12  }
0x1f: {  	s14 =	sand.u32 @!p1 $0x1, s14  }
0x20: {  	s14 =	smul.u32 @!p1 $0x140, s14  }
0x21: {  	s31 =	sadd.s32 $0xFFFFFFFF, s12;
	s15 =	sshrl.u32 @!p1 s11, $0x3  }
0x22: {  	s16 =	sand.u32 @!p1 $0x7, s11;
	s15 =	sadd.s32 @!p1 s4, s15;
	s14 =	sshrl.u32 @!p1 s14, $0x2  }
0x23: {  	[tilespmem:s14], [sflag:$0x2] =	stream.linear.gather @!p1 [hbm4b:s15+s16], $0x50, $0x38;
	[tilespmem:$0x50A0] =	vst v63  }
0x24: {  	p1 =	sge.u32 s31, s8  }
.Ltmp2:
0x25: {  	_ = 	snop;
	(pc) =	sbr.rel @p1 .LBB2_7-.Ltmp2, $1  }
0x26: {  	_ =	sdelay $0x3  }
0x27: {  	s14 =	simm.s32 $0x1  }
0x28: {  	s14 =	simm.s32 @!p0 $0x0  }
0x29: {  	s15 =	smul.u32 $0x140, s14  }
0x2a: {  	_ =	swait.ge [sflag:s7], $0x50  }
0x2b: {  	[sflag:s7] =	ssyncset.done $0x0;
	s16 =	sshrl.u32 s15, $0x2  }
0x2c: {  	[sflag:s7] =	ssyncadd.s32 $0xFFFFFFB0;
	s15 =	sadd.s32 $0x0, s16  }
0x2d: {  	v0 =	vld.msk [tilespmem:s15+$0x0 ss:$0x1], $0xffff;
	_ =	sdelay $0x4  }
0x2e: {  	vm2 =	vgt.s32 v0, $0x0  }
0x2f: {  	v0 =	vnsel vm2, $0x0, v0  }
0x30: {  	v0 =	vmin.u32 v0, $0x332FF  }
0x31: {  	v0 =	vshll.u32 v0, $0x4  }
0x32: {  	s14 =	smul.u32 $0xA000, s14;
	_ =	sdelay $0x1  }
0x33: {  	s14 =	sshrl.u32 s14, $0x2  }
0x34: {  	s14 =	sor.u32 $0xA0, s14  }
0x35: {  	[tilespmem:s14], [sflag:$0x1] =	stream.indirect_vreg.gather [hbm:s5], $0x80, v0, vm0, $0x38;
	[tilespmem:$0x50A0] =	vst v63  }
0x36: {  	s17 =	sadd.s32 $0x10, s16;
	s15 =	sadd.s32 $0x400, s14  }
0x37: {  	[tilespmem:s15], [sflag:$0x1] =	stream.indirect_vreg.gather [hbm:s5], $0x80, v0, vm1, $0x38;
	[tilespmem:$0x50A0] =	vst v63  }
0x38: {  	s18 =	simm.s32 $0x80;
	v0 =	vld.msk [tilespmem:s17+$0x0 ss:$0x1], $0xffff;
	s17 =	smov.u32 s14  }
.LBB2_3:
0x39: {  	p1 =	sne.s32 s18, $0x100;
	_ =	sdelay $0x4  }
0x3a: {  	vm2 =	vgt.s32 v0, $0x0  }
0x3b: {  	v0 =	vnsel vm2, $0x0, v0  }
0x3c: {  	v0 =	vmin.u32 v0, $0x332FF  }
0x3d: {  	v0 =	vshll.u32 v0, $0x4;
	_ =	sdelay $0x3  }
.Ltmp3:
0x3e: {  	s19 =	sshra.s32 s18, $0x2;
	s17 =	sadd.s32 $0x800, s17;
	(pc) =	sbr.rel @p1 .LBB2_3-.Ltmp3, $4  }
0x3f: {  	[tilespmem:s17], [sflag:$0x1] =	stream.indirect_vreg.gather [hbm:s5], $0x80, v0, vm0, $0x38;
	[tilespmem:$0x50A0] =	vst v63  }
0x40: {  	s19 =	sadd.s32 s19, s16;
	s20 =	sadd.s32 $0x400, s17  }
0x41: {  	[tilespmem:s20], [sflag:$0x1] =	stream.indirect_vreg.gather [hbm:s5], $0x80, v0, vm1, $0x38;
	[tilespmem:$0x50A0] =	vst v63  }
0x42: {  	s18 =	sadd.s32 $0x40, s18;
	v0 =	vld.msk [tilespmem:s19+$0x0 ss:$0x1], $0xffff  }
0x43: {  	_ =	sdelay $0x3  }
0x44: {  	vm2 =	vgt.s32 v0, $0x0  }
0x45: {  	v0 =	vnsel vm2, $0x0, v0  }
0x46: {  	v0 =	vmin.u32 v0, $0x332FF  }
0x47: {  	v0 =	vshll.u32 v0, $0x4;
	_ =	sdelay $0x3  }
0x48: {  	s16 =	sadd.s32 $0x800, s17  }
0x49: {  	[tilespmem:s16], [sflag:$0x1] =	stream.indirect_vreg.gather [hbm:s5], $0x80, v0, vm0, $0x38;
	[tilespmem:$0x50A0] =	vst v63  }
0x4a: {  	s16 =	sadd.s32 $0x400, s16  }
0x4b: {  	[tilespmem:s16], [sflag:$0x1] =	stream.indirect_vreg.gather [hbm:s5], $0x80, v0, vm1, $0x38;
	[tilespmem:$0x50A0] =	vst v63  }
0x4c: {  	s13 =	sshll.u32 s13, $0x4;
	_ =	swait.ge [sflag:s6], $0x2800  }
0x4d: {  	s13 =	sadd.s32 s13, s9;
	[sflag:s6] =	ssyncset.done $0x0  }
0x4e: {  	s17 =	sadd.s32 $0x0, s13;
	s16 =	simm.s32 $0x80;
	[sflag:s6] =	ssyncadd.s32 $0xFFFFD800  }
.LBB2_5:
0x4f: {  	[hbm:s17] =	stream.linear.scatter [tilespmem:s14], [sflag:$0x3], $0x400, $0x38;
	[tilespmem:$0x50A0] =	vst v63  }
0x50: {  	s17 =	smov.u32 s16;
	s14 =	smov.u32 s15;
	p1 =	sne.s32 s16, $0x480  }
.Ltmp4:
0x51: {  	s16 =	sadd.s32 $0x80, s16;
	(pc) =	sbr.rel @p1 .LBB2_5-.Ltmp4, $2  }
0x52: {  	_ =	sdelay $0x2  }
0x53: {  	s15 =	sadd.s32 $0x400, s15;
	s17 =	sadd.s32 s17, s13  }
.Ltmp5:
0x54: {  	_ = 	snop;
	(pc) =	sbr.rel .LBB2_6-.Ltmp5, $1  }
0x55: {  	_ =	sdelay $0x3  }
.LBB2_8:
0x56: {  	_ =	sfence.sel $0x180000  }
0x57: {  	s1 =	simm.s32 $0x2;
	[bflag:$0x0] =	sbarrier.arrive $0xFFFF  }
0x58: {  	s30 =	simm.s32 $0x3;
	[sflag:s1] =	ssyncpa.u1 $0x1  }
0x59: {  	s31 =	simm.s32 $0x1;
	[sflag:s30] =	ssyncpa.u1 $0x1  }
0x5a: {  	[sflag:s31] =	ssyncpa.u1 $0x1  }
0x5b: {  	p0 =	sne.s32 s0, $0x0;
	_ =	strace $0x90000047  }
0x5c: {  	s0 =	sadd.s32 @!p0 $0x100000, s2;
	[bflag:$0x2] =	sbarrier.arrive $0xFFFF  }
0x5d: {  	[sflag:s0] =	ssyncadd.tile.s32 @!p0 $0x1;
	_ =	shalt  }
.Lfunc_end2:
_tile_overlayer_lowered:
.L_overlay_start_2:
0x5e: {  	(tag) =	ssettag $0x2  }
0x5f: {  	s0 =	rddreg [dreg:$0x0];
	s2 =	stileid.u32  }
0x60: {  	s1 =	rddreg [dreg:$0x1];
	p0 =	sne.s32 s2, $0x0  }
0x61: {  	s3 =	rddreg [dreg:$0x2];
	[bflag:$0x3] =	sbarrier.arrive $0xFFFF;
	s2 =	simm.s32 @!p0 $0x1C01  }
0x62: {  	[timem:s3], [sflag:s2] =	dma.local @!p0 [hbm:s0], s1  }
0x63: {  	s0 =	simm.s32 @!p0 $0x1  }
0x64: {  	_ =	swait.ge @!p0 [sflag:s0], s1  }
0x65: {  	s1 =	ssub.s32 @!p0 $0x0, s1;
	[sflag:s0] =	ssyncset.done @!p0 $0x0  }
0x66: {  	[sflag:s0] =	ssyncadd.s32 @!p0 s1  }
0x67: {  	[bflag:$0x3] =	sbarrier.arrive $0xFFFF  }
0x68: {  	_ =	shalt  }

</sc_bundles>
